<compile_context>
chip_gen: v7x
topology: tpu7x:2x2x1
jax: 0.10.2.dev20260603
libtpu: 0.0.44.dev20260713+nightly
codegen_flags: <defaults>
</compile_context>

<pallas_src>
import functools

import jax
import jax.numpy as jnp
from jax import lax
from jax.experimental import pallas as pl
from jax.experimental.pallas import tpu as pltpu
from jax.experimental.pallas import tpu_sc as plsc

D = 64
BW = 128


def _make_kernel(b_total: int, l_total: int):
    info = plsc.get_sparse_core_info()
    nc, ns = info.num_cores, info.num_subcores
    nw = nc * ns
    assert b_total == nw * BW
    mesh = plsc.VectorSubcoreMesh(core_axis_name="c", subcore_axis_name="s")

    @functools.partial(
        pl.kernel,
        out_type=jax.ShapeDtypeStruct((l_total, 8, nw, 8 * BW), jnp.float32),
        mesh=mesh,
        compiler_params=pltpu.CompilerParams(
            use_tc_tiling_on_sc=False, needs_layout_passes=False),
        scratch_types=[
            pltpu.VMEM((l_total, BW), jnp.int32),
            pltpu.VMEM((l_total, BW), jnp.float32),
            pltpu.VMEM((BW, D), jnp.float32),
            pltpu.VMEM((BW, D), jnp.float32),
            pltpu.VMEM((8, 8 * BW), jnp.float32),
            pltpu.VMEM((8, 8 * BW), jnp.float32),
            pltpu.SemaphoreType.DMA,
            pltpu.SemaphoreType.DMA,
            pltpu.SemaphoreType.DMA,
            pltpu.SemaphoreType.DMA,
        ],
    )
    def sc_kernel(tpad_hbm, idxt_hbm, durt_hbm, out_hbm, idx_v, dur_v,
                  rows0, rows1, st0, st1, gsem0, gsem1, osem0, osem1):
        w = lax.axis_index("s") * nc + lax.axis_index("c")
        boff = pl.multiple_of(w * BW, BW)
        rows = (rows0, rows1)
        st = (st0, st1)
        gsem = (gsem0, gsem1)
        osem = (osem0, osem1)

        pltpu.sync_copy(idxt_hbm.at[:, pl.ds(boff, BW)], idx_v)
        pltpu.sync_copy(durt_hbm.at[:, pl.ds(boff, BW)], dur_v)

        def issue_gather(l, bi):
            pltpu.async_copy(tpad_hbm.at[idx_v.at[l]], rows[bi], gsem[bi])

        def drain_gather(bi):
            pltpu.make_async_copy(
                tpad_hbm.at[pl.ds(0, BW)], rows[bi], gsem[bi]).wait()

        def drain_out(bi):
            pltpu.make_async_copy(
                st[bi], out_hbm.at[0, :, 0], osem[bi]).wait()

        jvec = lax.iota(jnp.int32, 16)
        q8vec = (jvec % 8) * BW
        rvecs = {c0: jvec // 8 + (c0 // 8) for c0 in range(0, D, 16)}
        cvecs = {c0: jvec + c0 for c0 in range(0, D, 16)}

        def transpose_rows(l, bi):
            def d_body(d, _):
                bdvec = (jvec + d) % 16
                for c0 in range(0, D, 16):
                    bidx = [bdvec + bg * 16 for bg in range(8)]
                    vals = [
                        plsc.load_gather(rows[bi], [bidx[bg], cvecs[c0]])
                        for bg in range(8)
                    ]
                    for bg in range(8):
                        plsc.store_scatter(
                            st[bi], [rvecs[c0], q8vec + bidx[bg]], vals[bg])
                return 0
            lax.fori_loop(0, 16, d_body, 0)
            for bg in range(8):
                st[bi][7, pl.ds(7 * BW + bg * 16, 16)] = (
                    dur_v[l, pl.ds(bg * 16, 16)])

        def step(l, bi):
            pl.when(l >= 2)(lambda: drain_out(bi))
            pl.when(l + 1 < l_total)(lambda: issue_gather(l + 1, 1 - bi))
            drain_gather(bi)
            transpose_rows(l, bi)
            pltpu.async_copy(st[bi], out_hbm.at[l, :, w], osem[bi])

        issue_gather(0, 0)

        def pair_body(p, _):
            step(p * 2, 0)
            step(p * 2 + 1, 1)
            return 0

        lax.fori_loop(0, l_total // 2, pair_body, 0)
        drain_out(0)
        drain_out(1)

    return sc_kernel


def kernel(x, table):
    b, l, _ = x.shape
    idxt = x[..., 0].astype(jnp.int32).T
    durt = x[..., 1].T
    tpad = jnp.pad(table, ((0, 0), (0, 1)))
    out4 = _make_kernel(b, l)(tpad, idxt, durt)
    nw = out4.shape[2]
    return (out4.reshape(l, 8, nw, 8, BW)
            .transpose(2, 4, 0, 1, 3)
            .reshape(b, l, D))

# --- scband reference (transcript-rebuilt; emitter-appended) ---
"""Pipeline reference for scband-custom-duration-embedding-13331578487256 (READ-ONLY COPY).

The authoritative reference and input builder live on the scoring server;
editing this copy changes nothing except your own understanding.
"""

import jax, jax.numpy as jnp
import numpy as np

VOCAB = 100000
HIDDEN = 64
B, L = 4096, 200

def setup_inputs(seed: int = 0) -> dict:
    key = jax.random.key(seed)
    k1, k2, k3 = jax.random.split(key, 3)
    # x packs [activity_index, duration] along last dim; module casts index col to int
    idx = jax.random.randint(k1, (B, L, 1), 0, VOCAB).astype(jnp.float32)
    dur = jax.random.randint(k2, (B, L, 1), 0, VOCAB).astype(jnp.float32)
    x = jnp.concatenate([idx, dur], axis=-1)
    table = jax.random.normal(k3, (VOCAB, HIDDEN - 1), dtype=jnp.float32)
    return {"x": x, "table": table}

def reference(x, table):
    # torch.split(x, [1,1], dim=-1)
    embedded_idx = x[..., 0:1]
    durations = x[..., 1:2]
    # embedding(embedded.int()) -> [B, L, 1, HIDDEN-1]
    idx = embedded_idx.astype(jnp.int32)
    embedded = jnp.take(table, idx, axis=0)
    # dropout is identity in eval mode
    embedded = jnp.squeeze(embedded, axis=-2)  # [B, L, HIDDEN-1]
    out = jnp.concatenate([embedded, durations], axis=-1)  # [B, L, HIDDEN]
    return out

if __name__ == "__main__":
    import jax
    _d = setup_inputs()
    print(jax.jit(kernel)(*tuple(_d.values())))

</pallas_src>

<mosaic_0001>
#map = affine_map<(d0, d1) -> (0, 0)>
#map1 = affine_map<(d0, d1) -> (0, 0, 0, 0)>
module attributes {stable_mosaic.version = 14 : i64} {
  func.func @sc_kernel(%arg0: i32, %arg1: i32, %arg2: memref<100000x64xf32, #tpu.memory_space<hbm>>, %arg3: memref<200x4096xi32, #tpu.memory_space<hbm>>, %arg4: memref<200x4096xf32, #tpu.memory_space<hbm>>, %arg5: memref<200x8x32x1024xf32, #tpu.memory_space<hbm>>, %arg6: memref<200x128xi32, #tpu.memory_space<vmem>>, %arg7: memref<200x128xf32, #tpu.memory_space<vmem>>, %arg8: memref<128x64xf32, #tpu.memory_space<vmem>>, %arg9: memref<128x64xf32, #tpu.memory_space<vmem>>, %arg10: memref<8x1024xf32, #tpu.memory_space<vmem>>, %arg11: memref<8x1024xf32, #tpu.memory_space<vmem>>, %arg12: memref<!tpu.dma_semaphore, #tpu.memory_space<semaphore_mem>>, %arg13: memref<!tpu.dma_semaphore, #tpu.memory_space<semaphore_mem>>, %arg14: memref<!tpu.dma_semaphore, #tpu.memory_space<semaphore_mem>>, %arg15: memref<!tpu.dma_semaphore, #tpu.memory_space<semaphore_mem>>) attributes {dimension_semantics = [#tpu.dimension_semantics<core_parallel>, #tpu.dimension_semantics<subcore_parallel>], iteration_bounds = array<i64: 2, 16>, scalar_prefetch = 0 : i64, scratch_operands = 10 : i64, tpu.core_type = #tpu.core_type<sc_vector_subcore>, window_params = [{transform_indices = #map}, {transform_indices = #map}, {transform_indices = #map}, {transform_indices = #map1}]} {
    %mul3A = arith.constant 2 : i32
    %mul3A_0 = arith.muli %arg1, %mul3A : i32
    %add3A = arith.addi %mul3A_0, %arg0 : i32
    %mul3A_1 = arith.constant 128 : i32
    %mul3A_2 = arith.muli %add3A, %mul3A_1 : i32
    %multiple_of3A = tpu.assume_multiple %mul3A_2, 128 : i32
    "tpu.region"() ({
      %run_scoped3A = tpu.sem_alloc : memref<!tpu.dma_semaphore, #tpu.memory_space<semaphore_mem>>
      %dma_start3A_197 = arith.constant 0 : i32
      %dma_start3A_198 = tpu.memref_slice %arg3[%dma_start3A_197, %multiple_of3A] : memref<200x4096xi32, #tpu.memory_space<hbm>> -> memref<200x128xi32, #tpu.memory_space<hbm>>
      %dma_start3A_199 = arith.constant 0 : i32
      %dma_start3A_200 = tpu.memref_slice %arg3[%dma_start3A_199, %multiple_of3A] : memref<200x4096xi32, #tpu.memory_space<hbm>> -> memref<200x128xi32, #tpu.memory_space<hbm>>
      tpu.enqueue_dma source(%dma_start3A_200 : memref<200x128xi32, #tpu.memory_space<hbm>>) target(%arg6 : memref<200x128xi32, #tpu.memory_space<vmem>>) target_semaphore(%run_scoped3A : memref<!tpu.dma_semaphore, #tpu.memory_space<semaphore_mem>>)
      %dma_wait3A_201 = arith.constant 0 : i32
      %dma_wait3A_202 = tpu.memref_slice %arg3[%dma_wait3A_201, %multiple_of3A] : memref<200x4096xi32, #tpu.memory_space<hbm>> -> memref<200x128xi32, #tpu.memory_space<hbm>>
      %dma_wait3A_203 = arith.constant 0 : i32
      %dma_wait3A_204 = tpu.memref_slice %arg3[%dma_wait3A_203, %multiple_of3A] : memref<200x4096xi32, #tpu.memory_space<hbm>> -> memref<200x128xi32, #tpu.memory_space<hbm>>
      tpu.wait_dma2 semaphore(%run_scoped3A : memref<!tpu.dma_semaphore, #tpu.memory_space<semaphore_mem>>) src(%dma_wait3A_204 : memref<200x128xi32, #tpu.memory_space<hbm>>) dst(%arg6 : memref<200x128xi32, #tpu.memory_space<vmem>>)
      tpu.yield
    }) : () -> ()
    "tpu.region"() ({
      %run_scoped3A = tpu.sem_alloc : memref<!tpu.dma_semaphore, #tpu.memory_space<semaphore_mem>>
      %dma_start3A_197 = arith.constant 0 : i32
      %dma_start3A_198 = tpu.memref_slice %arg4[%dma_start3A_197, %multiple_of3A] : memref<200x4096xf32, #tpu.memory_space<hbm>> -> memref<200x128xf32, #tpu.memory_space<hbm>>
      %dma_start3A_199 = arith.constant 0 : i32
      %dma_start3A_200 = tpu.memref_slice %arg4[%dma_start3A_199, %multiple_of3A] : memref<200x4096xf32, #tpu.memory_space<hbm>> -> memref<200x128xf32, #tpu.memory_space<hbm>>
      tpu.enqueue_dma source(%dma_start3A_200 : memref<200x128xf32, #tpu.memory_space<hbm>>) target(%arg7 : memref<200x128xf32, #tpu.memory_space<vmem>>) target_semaphore(%run_scoped3A : memref<!tpu.dma_semaphore, #tpu.memory_space<semaphore_mem>>)
      %dma_wait3A_201 = arith.constant 0 : i32
      %dma_wait3A_202 = tpu.memref_slice %arg4[%dma_wait3A_201, %multiple_of3A] : memref<200x4096xf32, #tpu.memory_space<hbm>> -> memref<200x128xf32, #tpu.memory_space<hbm>>
      %dma_wait3A_203 = arith.constant 0 : i32
      %dma_wait3A_204 = tpu.memref_slice %arg4[%dma_wait3A_203, %multiple_of3A] : memref<200x4096xf32, #tpu.memory_space<hbm>> -> memref<200x128xf32, #tpu.memory_space<hbm>>
      tpu.wait_dma2 semaphore(%run_scoped3A : memref<!tpu.dma_semaphore, #tpu.memory_space<semaphore_mem>>) src(%dma_wait3A_204 : memref<200x128xf32, #tpu.memory_space<hbm>>) dst(%arg7 : memref<200x128xf32, #tpu.memory_space<vmem>>)
      tpu.yield
    }) : () -> ()
    %iota3A = tpu.iota {dimensions = array<i32: 0>} : vector<16xi32>
    %jit3A = arith.constant 8 : i32
    %eq3A = arith.constant 0 : i32
    %eq3A_3 = arith.cmpi eq, %jit3A, %eq3A : i32
    %jit3A_4 = arith.constant 1 : i32
    %select_n3A = arith.select %eq3A_3, %jit3A_4, %jit3A : i32
    %rem3A = vector.broadcast %select_n3A : i32 to vector<16xi32>
    %rem3A_5 = arith.remsi %iota3A, %rem3A : vector<16xi32>
    %ne3A = arith.constant 0 : i32
    %ne3A_6 = vector.broadcast %ne3A : i32 to vector<16xi32>
    %ne3A_7 = arith.cmpi ne, %rem3A_5, %ne3A_6 : vector<16xi32>
    %lt3A = arith.constant 0 : i32
    %lt3A_8 = vector.broadcast %lt3A : i32 to vector<16xi32>
    %lt3A_9 = arith.cmpi slt, %rem3A_5, %lt3A_8 : vector<16xi32>
    %lt3A_10 = arith.constant 0 : i32
    %lt3A_11 = arith.cmpi slt, %select_n3A, %lt3A_10 : i32
    %ne3A_12 = vector.broadcast %lt3A_11 : i1 to vector<16xi1>
    %ne3A_13 = vector.broadcast %ne3A_12 : vector<16xi1> to vector<16xi1>
    %ne3A_14 = arith.xori %lt3A_9, %ne3A_13 : vector<16xi1>
    %and3A = arith.andi %ne3A_14, %ne3A_7 : vector<16xi1>
    %add3A_15 = vector.broadcast %select_n3A : i32 to vector<16xi32>
    %add3A_16 = arith.addi %rem3A_5, %add3A_15 : vector<16xi32>
    %select_n3A_17 = arith.select %and3A, %add3A_16, %rem3A_5 : vector<16xi1>, vector<16xi32>
    %mul3A_18 = arith.constant 128 : i32
    %mul3A_19 = vector.broadcast %mul3A_18 : i32 to vector<16xi32>
    %mul3A_20 = arith.muli %select_n3A_17, %mul3A_19 : vector<16xi32>
    %jit3A_21 = arith.constant 8 : i32
    %div3A = vector.broadcast %jit3A_21 : i32 to vector<16xi32>
    %div3A_22 = arith.divsi %iota3A, %div3A : vector<16xi32>
    %sign3A = arith.constant 0 : i32
    %sign3A_23 = vector.broadcast %sign3A : i32 to vector<16xi32>
    %sign3A_24 = arith.cmpi sgt, %iota3A, %sign3A_23 : vector<16xi32>
    %sign3A_25 = arith.extui %sign3A_24 : vector<16xi1> to vector<16xi32>
    %sign3A_26 = arith.constant 0 : i32
    %sign3A_27 = vector.broadcast %sign3A_26 : i32 to vector<16xi32>
    %sign3A_28 = arith.cmpi slt, %iota3A, %sign3A_27 : vector<16xi32>
    %sign3A_29 = arith.extui %sign3A_28 : vector<16xi1> to vector<16xi32>
    %sign3A_30 = arith.subi %sign3A_25, %sign3A_29 : vector<16xi32>
    %sign3A_31 = arith.constant 0 : i32
    %sign3A_32 = arith.cmpi sgt, %jit3A_21, %sign3A_31 : i32
    %sign3A_33 = arith.extui %sign3A_32 : i1 to i32
    %sign3A_34 = arith.constant 0 : i32
    %sign3A_35 = arith.cmpi slt, %jit3A_21, %sign3A_34 : i32
    %sign3A_36 = arith.extui %sign3A_35 : i1 to i32
    %sign3A_37 = arith.subi %sign3A_33, %sign3A_36 : i32
    %ne3A_38 = vector.broadcast %sign3A_37 : i32 to vector<16xi32>
    %ne3A_39 = arith.cmpi ne, %sign3A_30, %ne3A_38 : vector<16xi32>
    %rem3A_40 = vector.broadcast %jit3A_21 : i32 to vector<16xi32>
    %rem3A_41 = arith.remsi %iota3A, %rem3A_40 : vector<16xi32>
    %ne3A_42 = arith.constant 0 : i32
    %ne3A_43 = vector.broadcast %ne3A_42 : i32 to vector<16xi32>
    %ne3A_44 = arith.cmpi ne, %rem3A_41, %ne3A_43 : vector<16xi32>
    %and3A_45 = arith.andi %ne3A_39, %ne3A_44 : vector<16xi1>
    %sub3A = arith.constant 1 : i32
    %sub3A_46 = vector.broadcast %sub3A : i32 to vector<16xi32>
    %sub3A_47 = arith.subi %div3A_22, %sub3A_46 : vector<16xi32>
    %select_n3A_48 = arith.select %and3A_45, %sub3A_47, %div3A_22 : vector<16xi1>, vector<16xi32>
    %add3A_49 = arith.constant 0 : i32
    %add3A_50 = vector.broadcast %add3A_49 : i32 to vector<16xi32>
    %add3A_51 = arith.addi %select_n3A_48, %add3A_50 : vector<16xi32>
    %jit3A_52 = arith.constant 8 : i32
    %div3A_53 = vector.broadcast %jit3A_52 : i32 to vector<16xi32>
    %div3A_54 = arith.divsi %iota3A, %div3A_53 : vector<16xi32>
    %sign3A_55 = arith.constant 0 : i32
    %sign3A_56 = vector.broadcast %sign3A_55 : i32 to vector<16xi32>
    %sign3A_57 = arith.cmpi sgt, %iota3A, %sign3A_56 : vector<16xi32>
    %sign3A_58 = arith.extui %sign3A_57 : vector<16xi1> to vector<16xi32>
    %sign3A_59 = arith.constant 0 : i32
    %sign3A_60 = vector.broadcast %sign3A_59 : i32 to vector<16xi32>
    %sign3A_61 = arith.cmpi slt, %iota3A, %sign3A_60 : vector<16xi32>
    %sign3A_62 = arith.extui %sign3A_61 : vector<16xi1> to vector<16xi32>
    %sign3A_63 = arith.subi %sign3A_58, %sign3A_62 : vector<16xi32>
    %sign3A_64 = arith.constant 0 : i32
    %sign3A_65 = arith.cmpi sgt, %jit3A_52, %sign3A_64 : i32
    %sign3A_66 = arith.extui %sign3A_65 : i1 to i32
    %sign3A_67 = arith.constant 0 : i32
    %sign3A_68 = arith.cmpi slt, %jit3A_52, %sign3A_67 : i32
    %sign3A_69 = arith.extui %sign3A_68 : i1 to i32
    %sign3A_70 = arith.subi %sign3A_66, %sign3A_69 : i32
    %ne3A_71 = vector.broadcast %sign3A_70 : i32 to vector<16xi32>
    %ne3A_72 = arith.cmpi ne, %sign3A_63, %ne3A_71 : vector<16xi32>
    %rem3A_73 = vector.broadcast %jit3A_52 : i32 to vector<16xi32>
    %rem3A_74 = arith.remsi %iota3A, %rem3A_73 : vector<16xi32>
    %ne3A_75 = arith.constant 0 : i32
    %ne3A_76 = vector.broadcast %ne3A_75 : i32 to vector<16xi32>
    %ne3A_77 = arith.cmpi ne, %rem3A_74, %ne3A_76 : vector<16xi32>
    %and3A_78 = arith.andi %ne3A_72, %ne3A_77 : vector<16xi1>
    %sub3A_79 = arith.constant 1 : i32
    %sub3A_80 = vector.broadcast %sub3A_79 : i32 to vector<16xi32>
    %sub3A_81 = arith.subi %div3A_54, %sub3A_80 : vector<16xi32>
    %select_n3A_82 = arith.select %and3A_78, %sub3A_81, %div3A_54 : vector<16xi1>, vector<16xi32>
    %add3A_83 = arith.constant 2 : i32
    %add3A_84 = vector.broadcast %add3A_83 : i32 to vector<16xi32>
    %add3A_85 = arith.addi %select_n3A_82, %add3A_84 : vector<16xi32>
    %jit3A_86 = arith.constant 8 : i32
    %div3A_87 = vector.broadcast %jit3A_86 : i32 to vector<16xi32>
    %div3A_88 = arith.divsi %iota3A, %div3A_87 : vector<16xi32>
    %sign3A_89 = arith.constant 0 : i32
    %sign3A_90 = vector.broadcast %sign3A_89 : i32 to vector<16xi32>
    %sign3A_91 = arith.cmpi sgt, %iota3A, %sign3A_90 : vector<16xi32>
    %sign3A_92 = arith.extui %sign3A_91 : vector<16xi1> to vector<16xi32>
    %sign3A_93 = arith.constant 0 : i32
    %sign3A_94 = vector.broadcast %sign3A_93 : i32 to vector<16xi32>
    %sign3A_95 = arith.cmpi slt, %iota3A, %sign3A_94 : vector<16xi32>
    %sign3A_96 = arith.extui %sign3A_95 : vector<16xi1> to vector<16xi32>
    %sign3A_97 = arith.subi %sign3A_92, %sign3A_96 : vector<16xi32>
    %sign3A_98 = arith.constant 0 : i32
    %sign3A_99 = arith.cmpi sgt, %jit3A_86, %sign3A_98 : i32
    %sign3A_100 = arith.extui %sign3A_99 : i1 to i32
    %sign3A_101 = arith.constant 0 : i32
    %sign3A_102 = arith.cmpi slt, %jit3A_86, %sign3A_101 : i32
    %sign3A_103 = arith.extui %sign3A_102 : i1 to i32
    %sign3A_104 = arith.subi %sign3A_100, %sign3A_103 : i32
    %ne3A_105 = vector.broadcast %sign3A_104 : i32 to vector<16xi32>
    %ne3A_106 = arith.cmpi ne, %sign3A_97, %ne3A_105 : vector<16xi32>
    %rem3A_107 = vector.broadcast %jit3A_86 : i32 to vector<16xi32>
    %rem3A_108 = arith.remsi %iota3A, %rem3A_107 : vector<16xi32>
    %ne3A_109 = arith.constant 0 : i32
    %ne3A_110 = vector.broadcast %ne3A_109 : i32 to vector<16xi32>
    %ne3A_111 = arith.cmpi ne, %rem3A_108, %ne3A_110 : vector<16xi32>
    %and3A_112 = arith.andi %ne3A_106, %ne3A_111 : vector<16xi1>
    %sub3A_113 = arith.constant 1 : i32
    %sub3A_114 = vector.broadcast %sub3A_113 : i32 to vector<16xi32>
    %sub3A_115 = arith.subi %div3A_88, %sub3A_114 : vector<16xi32>
    %select_n3A_116 = arith.select %and3A_112, %sub3A_115, %div3A_88 : vector<16xi1>, vector<16xi32>
    %add3A_117 = arith.constant 4 : i32
    %add3A_118 = vector.broadcast %add3A_117 : i32 to vector<16xi32>
    %add3A_119 = arith.addi %select_n3A_116, %add3A_118 : vector<16xi32>
    %jit3A_120 = arith.constant 8 : i32
    %div3A_121 = vector.broadcast %jit3A_120 : i32 to vector<16xi32>
    %div3A_122 = arith.divsi %iota3A, %div3A_121 : vector<16xi32>
    %sign3A_123 = arith.constant 0 : i32
    %sign3A_124 = vector.broadcast %sign3A_123 : i32 to vector<16xi32>
    %sign3A_125 = arith.cmpi sgt, %iota3A, %sign3A_124 : vector<16xi32>
    %sign3A_126 = arith.extui %sign3A_125 : vector<16xi1> to vector<16xi32>
    %sign3A_127 = arith.constant 0 : i32
    %sign3A_128 = vector.broadcast %sign3A_127 : i32 to vector<16xi32>
    %sign3A_129 = arith.cmpi slt, %iota3A, %sign3A_128 : vector<16xi32>
    %sign3A_130 = arith.extui %sign3A_129 : vector<16xi1> to vector<16xi32>
    %sign3A_131 = arith.subi %sign3A_126, %sign3A_130 : vector<16xi32>
    %sign3A_132 = arith.constant 0 : i32
    %sign3A_133 = arith.cmpi sgt, %jit3A_120, %sign3A_132 : i32
    %sign3A_134 = arith.extui %sign3A_133 : i1 to i32
    %sign3A_135 = arith.constant 0 : i32
    %sign3A_136 = arith.cmpi slt, %jit3A_120, %sign3A_135 : i32
    %sign3A_137 = arith.extui %sign3A_136 : i1 to i32
    %sign3A_138 = arith.subi %sign3A_134, %sign3A_137 : i32
    %ne3A_139 = vector.broadcast %sign3A_138 : i32 to vector<16xi32>
    %ne3A_140 = arith.cmpi ne, %sign3A_131, %ne3A_139 : vector<16xi32>
    %rem3A_141 = vector.broadcast %jit3A_120 : i32 to vector<16xi32>
    %rem3A_142 = arith.remsi %iota3A, %rem3A_141 : vector<16xi32>
    %ne3A_143 = arith.constant 0 : i32
    %ne3A_144 = vector.broadcast %ne3A_143 : i32 to vector<16xi32>
    %ne3A_145 = arith.cmpi ne, %rem3A_142, %ne3A_144 : vector<16xi32>
    %and3A_146 = arith.andi %ne3A_140, %ne3A_145 : vector<16xi1>
    %sub3A_147 = arith.constant 1 : i32
    %sub3A_148 = vector.broadcast %sub3A_147 : i32 to vector<16xi32>
    %sub3A_149 = arith.subi %div3A_122, %sub3A_148 : vector<16xi32>
    %select_n3A_150 = arith.select %and3A_146, %sub3A_149, %div3A_122 : vector<16xi1>, vector<16xi32>
    %add3A_151 = arith.constant 6 : i32
    %add3A_152 = vector.broadcast %add3A_151 : i32 to vector<16xi32>
    %add3A_153 = arith.addi %select_n3A_150, %add3A_152 : vector<16xi32>
    %add3A_154 = arith.constant 0 : i32
    %add3A_155 = vector.broadcast %add3A_154 : i32 to vector<16xi32>
    %add3A_156 = arith.addi %iota3A, %add3A_155 : vector<16xi32>
    %add3A_157 = arith.constant 16 : i32
    %add3A_158 = vector.broadcast %add3A_157 : i32 to vector<16xi32>
    %add3A_159 = arith.addi %iota3A, %add3A_158 : vector<16xi32>
    %add3A_160 = arith.constant 32 : i32
    %add3A_161 = vector.broadcast %add3A_160 : i32 to vector<16xi32>
    %add3A_162 = arith.addi %iota3A, %add3A_161 : vector<16xi32>
    %add3A_163 = arith.constant 48 : i32
    %add3A_164 = vector.broadcast %add3A_163 : i32 to vector<16xi32>
    %add3A_165 = arith.addi %iota3A, %add3A_164 : vector<16xi32>
    %dma_start3A = arith.constant 0 : i32
    %dma_start3A_166 = arith.constant 0 : i32
    %dma_start3A_167 = tpu.memref_slice %arg6[%dma_start3A, %dma_start3A_166] : memref<200x128xi32, #tpu.memory_space<vmem>> -> memref<1x128xi32, #tpu.memory_space<vmem>>
    %dma_start3A_168 = tpu.memref_squeeze %dma_start3A_167 : memref<1x128xi32, #tpu.memory_space<vmem>> -> memref<128xi32, #tpu.memory_space<vmem>>
    %dma_start3A_169 = arith.constant 0 : i32
    %dma_start3A_170 = arith.constant 0 : i32
    %dma_start3A_171 = tpu.memref_slice %arg2[%dma_start3A_169, %dma_start3A_170] : memref<100000x64xf32, #tpu.memory_space<hbm>> -> memref<100000x64xf32, #tpu.memory_space<hbm>>
    tpu.enqueue_indirect_dma source(%dma_start3A_171 : memref<100000x64xf32, #tpu.memory_space<hbm>>) target(%arg8 : memref<128x64xf32, #tpu.memory_space<vmem>>) offsets(%dma_start3A_168 : memref<128xi32, #tpu.memory_space<vmem>>) semaphore(%arg12 : memref<!tpu.dma_semaphore, #tpu.memory_space<semaphore_mem>>)
    %scan3A = arith.constant 0 : i32
    %scan3A_172 = arith.constant 0 : i32
    %scan3A_173 = arith.constant 100 : i32
    %scan3A_174 = arith.addi %scan3A_172, %scan3A_173 : i32
    %scan3A_175 = arith.constant 1 : i32
    %scan3A_176 = scf.for %scan3A_197 = %scan3A_172 to %scan3A_174 step %scan3A_175 iter_args(%scan3A_198 = %scan3A) -> (i32)  : i32 {
      %mul3A_199 = arith.constant 2 : i32
      %mul3A_200 = arith.muli %scan3A_197, %mul3A_199 : i32
      %ge3A = arith.constant 2 : i32
      %ge3A_201 = arith.cmpi sge, %mul3A_200, %ge3A : i32
      %convert_element_type3A = arith.extui %ge3A_201 : i1 to i32
      %cond3A = arith.constant 0 : i32
      %cond3A_202 = arith.cmpi ne, %convert_element_type3A, %cond3A : i32
      scf.if %cond3A_202 {
        %dma_wait3A_379 = arith.constant 0 : i32
        %dma_wait3A_380 = arith.constant 0 : i32
        %dma_wait3A_381 = arith.constant 0 : i32
        %dma_wait3A_382 = arith.constant 0 : i32
        %dma_wait3A_383 = tpu.memref_slice %arg5[%dma_wait3A_379, %dma_wait3A_381, %dma_wait3A_380, %dma_wait3A_382] : memref<200x8x32x1024xf32, #tpu.memory_space<hbm>> -> memref<1x8x1x1024xf32, #tpu.memory_space<hbm>>
        %dma_wait3A_384 = tpu.memref_squeeze %dma_wait3A_383 : memref<1x8x1x1024xf32, #tpu.memory_space<hbm>> -> memref<8x1024xf32, #tpu.memory_space<hbm>>
        %dma_wait3A_385 = arith.constant 0 : i32
        %dma_wait3A_386 = arith.constant 0 : i32
        %dma_wait3A_387 = tpu.memref_slice %arg5[%dma_wait3A_379, %dma_wait3A_385, %dma_wait3A_380, %dma_wait3A_386] : memref<200x8x32x1024xf32, #tpu.memory_space<hbm>> -> memref<1x8x1x1024xf32, #tpu.memory_space<hbm>>
        %dma_wait3A_388 = tpu.memref_squeeze %dma_wait3A_387 : memref<1x8x1x1024xf32, #tpu.memory_space<hbm>> -> memref<8x1024xf32, #tpu.memory_space<hbm>>
        tpu.wait_dma2 semaphore(%arg14 : memref<!tpu.dma_semaphore, #tpu.memory_space<semaphore_mem>>) src(%arg10 : memref<8x1024xf32, #tpu.memory_space<vmem>>) dst(%dma_wait3A_388 : memref<8x1024xf32, #tpu.memory_space<hbm>>)
      } else {
      }
      %add3A_203 = arith.constant 1 : i32
      %add3A_204 = arith.addi %mul3A_200, %add3A_203 : i32
      %lt3A_205 = arith.constant 200 : i32
      %lt3A_206 = arith.cmpi slt, %add3A_204, %lt3A_205 : i32
      %convert_element_type3A_207 = arith.extui %lt3A_206 : i1 to i32
      %cond3A_208 = arith.constant 0 : i32
      %cond3A_209 = arith.cmpi ne, %convert_element_type3A_207, %cond3A_208 : i32
      scf.if %cond3A_209 {
        %add3A_379 = arith.constant 1 : i32
        %add3A_380 = arith.addi %mul3A_200, %add3A_379 : i32
        %dma_start3A_381 = arith.constant 0 : i32
        %dma_start3A_382 = tpu.memref_slice %arg6[%add3A_380, %dma_start3A_381] : memref<200x128xi32, #tpu.memory_space<vmem>> -> memref<1x128xi32, #tpu.memory_space<vmem>>
        %dma_start3A_383 = tpu.memref_squeeze %dma_start3A_382 : memref<1x128xi32, #tpu.memory_space<vmem>> -> memref<128xi32, #tpu.memory_space<vmem>>
        %dma_start3A_384 = arith.constant 0 : i32
        %dma_start3A_385 = arith.constant 0 : i32
        %dma_start3A_386 = tpu.memref_slice %arg2[%dma_start3A_384, %dma_start3A_385] : memref<100000x64xf32, #tpu.memory_space<hbm>> -> memref<100000x64xf32, #tpu.memory_space<hbm>>
        tpu.enqueue_indirect_dma source(%dma_start3A_386 : memref<100000x64xf32, #tpu.memory_space<hbm>>) target(%arg9 : memref<128x64xf32, #tpu.memory_space<vmem>>) offsets(%dma_start3A_383 : memref<128xi32, #tpu.memory_space<vmem>>) semaphore(%arg13 : memref<!tpu.dma_semaphore, #tpu.memory_space<semaphore_mem>>)
      } else {
      }
      %dma_wait3A_210 = arith.constant 0 : i32
      %dma_wait3A_211 = arith.constant 0 : i32
      %dma_wait3A_212 = tpu.memref_slice %arg2[%dma_wait3A_210, %dma_wait3A_211] : memref<100000x64xf32, #tpu.memory_space<hbm>> -> memref<128x64xf32, #tpu.memory_space<hbm>>
      %dma_wait3A_213 = arith.constant 0 : i32
      %dma_wait3A_214 = arith.constant 0 : i32
      %dma_wait3A_215 = tpu.memref_slice %arg2[%dma_wait3A_213, %dma_wait3A_214] : memref<100000x64xf32, #tpu.memory_space<hbm>> -> memref<128x64xf32, #tpu.memory_space<hbm>>
      tpu.wait_dma2 semaphore(%arg12 : memref<!tpu.dma_semaphore, #tpu.memory_space<semaphore_mem>>) src(%dma_wait3A_215 : memref<128x64xf32, #tpu.memory_space<hbm>>) dst(%arg8 : memref<128x64xf32, #tpu.memory_space<vmem>>)
      %scan3A_216 = arith.constant 0 : i32
      %scan3A_217 = arith.constant 0 : i32
      %scan3A_218 = arith.constant 16 : i32
      %scan3A_219 = arith.addi %scan3A_217, %scan3A_218 : i32
      %scan3A_220 = arith.constant 1 : i32
      %scan3A_221 = scf.for %scan3A_379 = %scan3A_217 to %scan3A_219 step %scan3A_220 iter_args(%scan3A_380 = %scan3A_216) -> (i32)  : i32 {
        %add3A_381 = vector.broadcast %scan3A_379 : i32 to vector<16xi32>
        %add3A_382 = arith.addi %iota3A, %add3A_381 : vector<16xi32>
        %jit3A_383 = arith.constant 16 : i32
        %eq3A_384 = arith.constant 0 : i32
        %eq3A_385 = arith.cmpi eq, %jit3A_383, %eq3A_384 : i32
        %jit3A_386 = arith.constant 1 : i32
        %select_n3A_387 = arith.select %eq3A_385, %jit3A_386, %jit3A_383 : i32
        %rem3A_388 = vector.broadcast %select_n3A_387 : i32 to vector<16xi32>
        %rem3A_389 = arith.remsi %add3A_382, %rem3A_388 : vector<16xi32>
        %ne3A_390 = arith.constant 0 : i32
        %ne3A_391 = vector.broadcast %ne3A_390 : i32 to vector<16xi32>
        %ne3A_392 = arith.cmpi ne, %rem3A_389, %ne3A_391 : vector<16xi32>
        %lt3A_393 = arith.constant 0 : i32
        %lt3A_394 = vector.broadcast %lt3A_393 : i32 to vector<16xi32>
        %lt3A_395 = arith.cmpi slt, %rem3A_389, %lt3A_394 : vector<16xi32>
        %lt3A_396 = arith.constant 0 : i32
        %lt3A_397 = arith.cmpi slt, %select_n3A_387, %lt3A_396 : i32
        %ne3A_398 = vector.broadcast %lt3A_397 : i1 to vector<16xi1>
        %ne3A_399 = vector.broadcast %ne3A_398 : vector<16xi1> to vector<16xi1>
        %ne3A_400 = arith.xori %lt3A_395, %ne3A_399 : vector<16xi1>
        %and3A_401 = arith.andi %ne3A_400, %ne3A_392 : vector<16xi1>
        %add3A_402 = vector.broadcast %select_n3A_387 : i32 to vector<16xi32>
        %add3A_403 = arith.addi %rem3A_389, %add3A_402 : vector<16xi32>
        %select_n3A_404 = arith.select %and3A_401, %add3A_403, %rem3A_389 : vector<16xi1>, vector<16xi32>
        %add3A_405 = arith.constant 0 : i32
        %add3A_406 = vector.broadcast %add3A_405 : i32 to vector<16xi32>
        %add3A_407 = arith.addi %select_n3A_404, %add3A_406 : vector<16xi32>
        %add3A_408 = arith.constant 16 : i32
        %add3A_409 = vector.broadcast %add3A_408 : i32 to vector<16xi32>
        %add3A_410 = arith.addi %select_n3A_404, %add3A_409 : vector<16xi32>
        %add3A_411 = arith.constant 32 : i32
        %add3A_412 = vector.broadcast %add3A_411 : i32 to vector<16xi32>
        %add3A_413 = arith.addi %select_n3A_404, %add3A_412 : vector<16xi32>
        %add3A_414 = arith.constant 48 : i32
        %add3A_415 = vector.broadcast %add3A_414 : i32 to vector<16xi32>
        %add3A_416 = arith.addi %select_n3A_404, %add3A_415 : vector<16xi32>
        %add3A_417 = arith.constant 64 : i32
        %add3A_418 = vector.broadcast %add3A_417 : i32 to vector<16xi32>
        %add3A_419 = arith.addi %select_n3A_404, %add3A_418 : vector<16xi32>
        %add3A_420 = arith.constant 80 : i32
        %add3A_421 = vector.broadcast %add3A_420 : i32 to vector<16xi32>
        %add3A_422 = arith.addi %select_n3A_404, %add3A_421 : vector<16xi32>
        %add3A_423 = arith.constant 96 : i32
        %add3A_424 = vector.broadcast %add3A_423 : i32 to vector<16xi32>
        %add3A_425 = arith.addi %select_n3A_404, %add3A_424 : vector<16xi32>
        %add3A_426 = arith.constant 112 : i32
        %add3A_427 = vector.broadcast %add3A_426 : i32 to vector<16xi32>
        %add3A_428 = arith.addi %select_n3A_404, %add3A_427 : vector<16xi32>
        %gather3A = tpu.vector_load_idx %arg8[%add3A_407, %add3A_156] : memref<128x64xf32, #tpu.memory_space<vmem>>[vector<16xi32>, vector<16xi32>], vector<16xf32>,
        %gather3A_429 = tpu.vector_load_idx %arg8[%add3A_410, %add3A_156] : memref<128x64xf32, #tpu.memory_space<vmem>>[vector<16xi32>, vector<16xi32>], vector<16xf32>,
        %gather3A_430 = tpu.vector_load_idx %arg8[%add3A_413, %add3A_156] : memref<128x64xf32, #tpu.memory_space<vmem>>[vector<16xi32>, vector<16xi32>], vector<16xf32>,
        %gather3A_431 = tpu.vector_load_idx %arg8[%add3A_416, %add3A_156] : memref<128x64xf32, #tpu.memory_space<vmem>>[vector<16xi32>, vector<16xi32>], vector<16xf32>,
        %gather3A_432 = tpu.vector_load_idx %arg8[%add3A_419, %add3A_156] : memref<128x64xf32, #tpu.memory_space<vmem>>[vector<16xi32>, vector<16xi32>], vector<16xf32>,
        %gather3A_433 = tpu.vector_load_idx %arg8[%add3A_422, %add3A_156] : memref<128x64xf32, #tpu.memory_space<vmem>>[vector<16xi32>, vector<16xi32>], vector<16xf32>,
        %gather3A_434 = tpu.vector_load_idx %arg8[%add3A_425, %add3A_156] : memref<128x64xf32, #tpu.memory_space<vmem>>[vector<16xi32>, vector<16xi32>], vector<16xf32>,
        %gather3A_435 = tpu.vector_load_idx %arg8[%add3A_428, %add3A_156] : memref<128x64xf32, #tpu.memory_space<vmem>>[vector<16xi32>, vector<16xi32>], vector<16xf32>,
        %add3A_436 = arith.addi %mul3A_20, %add3A_407 : vector<16xi32>
        tpu.vector_store_idx %arg10[%add3A_51, %add3A_436], %gather3A : memref<8x1024xf32, #tpu.memory_space<vmem>>[vector<16xi32>, vector<16xi32>], vector<16xf32>,
        %add3A_437 = arith.addi %mul3A_20, %add3A_410 : vector<16xi32>
        tpu.vector_store_idx %arg10[%add3A_51, %add3A_437], %gather3A_429 : memref<8x1024xf32, #tpu.memory_space<vmem>>[vector<16xi32>, vector<16xi32>], vector<16xf32>,
        %add3A_438 = arith.addi %mul3A_20, %add3A_413 : vector<16xi32>
        tpu.vector_store_idx %arg10[%add3A_51, %add3A_438], %gather3A_430 : memref<8x1024xf32, #tpu.memory_space<vmem>>[vector<16xi32>, vector<16xi32>], vector<16xf32>,
        %add3A_439 = arith.addi %mul3A_20, %add3A_416 : vector<16xi32>
        tpu.vector_store_idx %arg10[%add3A_51, %add3A_439], %gather3A_431 : memref<8x1024xf32, #tpu.memory_space<vmem>>[vector<16xi32>, vector<16xi32>], vector<16xf32>,
        %add3A_440 = arith.addi %mul3A_20, %add3A_419 : vector<16xi32>
        tpu.vector_store_idx %arg10[%add3A_51, %add3A_440], %gather3A_432 : memref<8x1024xf32, #tpu.memory_space<vmem>>[vector<16xi32>, vector<16xi32>], vector<16xf32>,
        %add3A_441 = arith.addi %mul3A_20, %add3A_422 : vector<16xi32>
        tpu.vector_store_idx %arg10[%add3A_51, %add3A_441], %gather3A_433 : memref<8x1024xf32, #tpu.memory_space<vmem>>[vector<16xi32>, vector<16xi32>], vector<16xf32>,
        %add3A_442 = arith.addi %mul3A_20, %add3A_425 : vector<16xi32>
        tpu.vector_store_idx %arg10[%add3A_51, %add3A_442], %gather3A_434 : memref<8x1024xf32, #tpu.memory_space<vmem>>[vector<16xi32>, vector<16xi32>], vector<16xf32>,
        %add3A_443 = arith.addi %mul3A_20, %add3A_428 : vector<16xi32>
        tpu.vector_store_idx %arg10[%add3A_51, %add3A_443], %gather3A_435 : memref<8x1024xf32, #tpu.memory_space<vmem>>[vector<16xi32>, vector<16xi32>], vector<16xf32>,
        %add3A_444 = arith.constant 0 : i32
        %add3A_445 = vector.broadcast %add3A_444 : i32 to vector<16xi32>
        %add3A_446 = arith.addi %select_n3A_404, %add3A_445 : vector<16xi32>
        %add3A_447 = arith.constant 16 : i32
        %add3A_448 = vector.broadcast %add3A_447 : i32 to vector<16xi32>
        %add3A_449 = arith.addi %select_n3A_404, %add3A_448 : vector<16xi32>
        %add3A_450 = arith.constant 32 : i32
        %add3A_451 = vector.broadcast %add3A_450 : i32 to vector<16xi32>
        %add3A_452 = arith.addi %select_n3A_404, %add3A_451 : vector<16xi32>
        %add3A_453 = arith.constant 48 : i32
        %add3A_454 = vector.broadcast %add3A_453 : i32 to vector<16xi32>
        %add3A_455 = arith.addi %select_n3A_404, %add3A_454 : vector<16xi32>
        %add3A_456 = arith.constant 64 : i32
        %add3A_457 = vector.broadcast %add3A_456 : i32 to vector<16xi32>
        %add3A_458 = arith.addi %select_n3A_404, %add3A_457 : vector<16xi32>
        %add3A_459 = arith.constant 80 : i32
        %add3A_460 = vector.broadcast %add3A_459 : i32 to vector<16xi32>
        %add3A_461 = arith.addi %select_n3A_404, %add3A_460 : vector<16xi32>
        %add3A_462 = arith.constant 96 : i32
        %add3A_463 = vector.broadcast %add3A_462 : i32 to vector<16xi32>
        %add3A_464 = arith.addi %select_n3A_404, %add3A_463 : vector<16xi32>
        %add3A_465 = arith.constant 112 : i32
        %add3A_466 = vector.broadcast %add3A_465 : i32 to vector<16xi32>
        %add3A_467 = arith.addi %select_n3A_404, %add3A_466 : vector<16xi32>
        %gather3A_468 = tpu.vector_load_idx %arg8[%add3A_446, %add3A_159] : memref<128x64xf32, #tpu.memory_space<vmem>>[vector<16xi32>, vector<16xi32>], vector<16xf32>,
        %gather3A_469 = tpu.vector_load_idx %arg8[%add3A_449, %add3A_159] : memref<128x64xf32, #tpu.memory_space<vmem>>[vector<16xi32>, vector<16xi32>], vector<16xf32>,
        %gather3A_470 = tpu.vector_load_idx %arg8[%add3A_452, %add3A_159] : memref<128x64xf32, #tpu.memory_space<vmem>>[vector<16xi32>, vector<16xi32>], vector<16xf32>,
        %gather3A_471 = tpu.vector_load_idx %arg8[%add3A_455, %add3A_159] : memref<128x64xf32, #tpu.memory_space<vmem>>[vector<16xi32>, vector<16xi32>], vector<16xf32>,
        %gather3A_472 = tpu.vector_load_idx %arg8[%add3A_458, %add3A_159] : memref<128x64xf32, #tpu.memory_space<vmem>>[vector<16xi32>, vector<16xi32>], vector<16xf32>,
        %gather3A_473 = tpu.vector_load_idx %arg8[%add3A_461, %add3A_159] : memref<128x64xf32, #tpu.memory_space<vmem>>[vector<16xi32>, vector<16xi32>], vector<16xf32>,
        %gather3A_474 = tpu.vector_load_idx %arg8[%add3A_464, %add3A_159] : memref<128x64xf32, #tpu.memory_space<vmem>>[vector<16xi32>, vector<16xi32>], vector<16xf32>,
        %gather3A_475 = tpu.vector_load_idx %arg8[%add3A_467, %add3A_159] : memref<128x64xf32, #tpu.memory_space<vmem>>[vector<16xi32>, vector<16xi32>], vector<16xf32>,
        %add3A_476 = arith.addi %mul3A_20, %add3A_446 : vector<16xi32>
        tpu.vector_store_idx %arg10[%add3A_85, %add3A_476], %gather3A_468 : memref<8x1024xf32, #tpu.memory_space<vmem>>[vector<16xi32>, vector<16xi32>], vector<16xf32>,
        %add3A_477 = arith.addi %mul3A_20, %add3A_449 : vector<16xi32>
        tpu.vector_store_idx %arg10[%add3A_85, %add3A_477], %gather3A_469 : memref<8x1024xf32, #tpu.memory_space<vmem>>[vector<16xi32>, vector<16xi32>], vector<16xf32>,
        %add3A_478 = arith.addi %mul3A_20, %add3A_452 : vector<16xi32>
        tpu.vector_store_idx %arg10[%add3A_85, %add3A_478], %gather3A_470 : memref<8x1024xf32, #tpu.memory_space<vmem>>[vector<16xi32>, vector<16xi32>], vector<16xf32>,
        %add3A_479 = arith.addi %mul3A_20, %add3A_455 : vector<16xi32>
        tpu.vector_store_idx %arg10[%add3A_85, %add3A_479], %gather3A_471 : memref<8x1024xf32, #tpu.memory_space<vmem>>[vector<16xi32>, vector<16xi32>], vector<16xf32>,
        %add3A_480 = arith.addi %mul3A_20, %add3A_458 : vector<16xi32>
        tpu.vector_store_idx %arg10[%add3A_85, %add3A_480], %gather3A_472 : memref<8x1024xf32, #tpu.memory_space<vmem>>[vector<16xi32>, vector<16xi32>], vector<16xf32>,
        %add3A_481 = arith.addi %mul3A_20, %add3A_461 : vector<16xi32>
        tpu.vector_store_idx %arg10[%add3A_85, %add3A_481], %gather3A_473 : memref<8x1024xf32, #tpu.memory_space<vmem>>[vector<16xi32>, vector<16xi32>], vector<16xf32>,
        %add3A_482 = arith.addi %mul3A_20, %add3A_464 : vector<16xi32>
        tpu.vector_store_idx %arg10[%add3A_85, %add3A_482], %gather3A_474 : memref<8x1024xf32, #tpu.memory_space<vmem>>[vector<16xi32>, vector<16xi32>], vector<16xf32>,
        %add3A_483 = arith.addi %mul3A_20, %add3A_467 : vector<16xi32>
        tpu.vector_store_idx %arg10[%add3A_85, %add3A_483], %gather3A_475 : memref<8x1024xf32, #tpu.memory_space<vmem>>[vector<16xi32>, vector<16xi32>], vector<16xf32>,
        %add3A_484 = arith.constant 0 : i32
        %add3A_485 = vector.broadcast %add3A_484 : i32 to vector<16xi32>
        %add3A_486 = arith.addi %select_n3A_404, %add3A_485 : vector<16xi32>
        %add3A_487 = arith.constant 16 : i32
        %add3A_488 = vector.broadcast %add3A_487 : i32 to vector<16xi32>
        %add3A_489 = arith.addi %select_n3A_404, %add3A_488 : vector<16xi32>
        %add3A_490 = arith.constant 32 : i32
        %add3A_491 = vector.broadcast %add3A_490 : i32 to vector<16xi32>
        %add3A_492 = arith.addi %select_n3A_404, %add3A_491 : vector<16xi32>
        %add3A_493 = arith.constant 48 : i32
        %add3A_494 = vector.broadcast %add3A_493 : i32 to vector<16xi32>
        %add3A_495 = arith.addi %select_n3A_404, %add3A_494 : vector<16xi32>
        %add3A_496 = arith.constant 64 : i32
        %add3A_497 = vector.broadcast %add3A_496 : i32 to vector<16xi32>
        %add3A_498 = arith.addi %select_n3A_404, %add3A_497 : vector<16xi32>
        %add3A_499 = arith.constant 80 : i32
        %add3A_500 = vector.broadcast %add3A_499 : i32 to vector<16xi32>
        %add3A_501 = arith.addi %select_n3A_404, %add3A_500 : vector<16xi32>
        %add3A_502 = arith.constant 96 : i32
        %add3A_503 = vector.broadcast %add3A_502 : i32 to vector<16xi32>
        %add3A_504 = arith.addi %select_n3A_404, %add3A_503 : vector<16xi32>
        %add3A_505 = arith.constant 112 : i32
        %add3A_506 = vector.broadcast %add3A_505 : i32 to vector<16xi32>
        %add3A_507 = arith.addi %select_n3A_404, %add3A_506 : vector<16xi32>
        %gather3A_508 = tpu.vector_load_idx %arg8[%add3A_486, %add3A_162] : memref<128x64xf32, #tpu.memory_space<vmem>>[vector<16xi32>, vector<16xi32>], vector<16xf32>,
        %gather3A_509 = tpu.vector_load_idx %arg8[%add3A_489, %add3A_162] : memref<128x64xf32, #tpu.memory_space<vmem>>[vector<16xi32>, vector<16xi32>], vector<16xf32>,
        %gather3A_510 = tpu.vector_load_idx %arg8[%add3A_492, %add3A_162] : memref<128x64xf32, #tpu.memory_space<vmem>>[vector<16xi32>, vector<16xi32>], vector<16xf32>,
        %gather3A_511 = tpu.vector_load_idx %arg8[%add3A_495, %add3A_162] : memref<128x64xf32, #tpu.memory_space<vmem>>[vector<16xi32>, vector<16xi32>], vector<16xf32>,
        %gather3A_512 = tpu.vector_load_idx %arg8[%add3A_498, %add3A_162] : memref<128x64xf32, #tpu.memory_space<vmem>>[vector<16xi32>, vector<16xi32>], vector<16xf32>,
        %gather3A_513 = tpu.vector_load_idx %arg8[%add3A_501, %add3A_162] : memref<128x64xf32, #tpu.memory_space<vmem>>[vector<16xi32>, vector<16xi32>], vector<16xf32>,
        %gather3A_514 = tpu.vector_load_idx %arg8[%add3A_504, %add3A_162] : memref<128x64xf32, #tpu.memory_space<vmem>>[vector<16xi32>, vector<16xi32>], vector<16xf32>,
        %gather3A_515 = tpu.vector_load_idx %arg8[%add3A_507, %add3A_162] : memref<128x64xf32, #tpu.memory_space<vmem>>[vector<16xi32>, vector<16xi32>], vector<16xf32>,
        %add3A_516 = arith.addi %mul3A_20, %add3A_486 : vector<16xi32>
        tpu.vector_store_idx %arg10[%add3A_119, %add3A_516], %gather3A_508 : memref<8x1024xf32, #tpu.memory_space<vmem>>[vector<16xi32>, vector<16xi32>], vector<16xf32>,
        %add3A_517 = arith.addi %mul3A_20, %add3A_489 : vector<16xi32>
        tpu.vector_store_idx %arg10[%add3A_119, %add3A_517], %gather3A_509 : memref<8x1024xf32, #tpu.memory_space<vmem>>[vector<16xi32>, vector<16xi32>], vector<16xf32>,
        %add3A_518 = arith.addi %mul3A_20, %add3A_492 : vector<16xi32>
        tpu.vector_store_idx %arg10[%add3A_119, %add3A_518], %gather3A_510 : memref<8x1024xf32, #tpu.memory_space<vmem>>[vector<16xi32>, vector<16xi32>], vector<16xf32>,
        %add3A_519 = arith.addi %mul3A_20, %add3A_495 : vector<16xi32>
        tpu.vector_store_idx %arg10[%add3A_119, %add3A_519], %gather3A_511 : memref<8x1024xf32, #tpu.memory_space<vmem>>[vector<16xi32>, vector<16xi32>], vector<16xf32>,
        %add3A_520 = arith.addi %mul3A_20, %add3A_498 : vector<16xi32>
        tpu.vector_store_idx %arg10[%add3A_119, %add3A_520], %gather3A_512 : memref<8x1024xf32, #tpu.memory_space<vmem>>[vector<16xi32>, vector<16xi32>], vector<16xf32>,
        %add3A_521 = arith.addi %mul3A_20, %add3A_501 : vector<16xi32>
        tpu.vector_store_idx %arg10[%add3A_119, %add3A_521], %gather3A_513 : memref<8x1024xf32, #tpu.memory_space<vmem>>[vector<16xi32>, vector<16xi32>], vector<16xf32>,
        %add3A_522 = arith.addi %mul3A_20, %add3A_504 : vector<16xi32>
        tpu.vector_store_idx %arg10[%add3A_119, %add3A_522], %gather3A_514 : memref<8x1024xf32, #tpu.memory_space<vmem>>[vector<16xi32>, vector<16xi32>], vector<16xf32>,
        %add3A_523 = arith.addi %mul3A_20, %add3A_507 : vector<16xi32>
        tpu.vector_store_idx %arg10[%add3A_119, %add3A_523], %gather3A_515 : memref<8x1024xf32, #tpu.memory_space<vmem>>[vector<16xi32>, vector<16xi32>], vector<16xf32>,
        %add3A_524 = arith.constant 0 : i32
        %add3A_525 = vector.broadcast %add3A_524 : i32 to vector<16xi32>
        %add3A_526 = arith.addi %select_n3A_404, %add3A_525 : vector<16xi32>
        %add3A_527 = arith.constant 16 : i32
        %add3A_528 = vector.broadcast %add3A_527 : i32 to vector<16xi32>
        %add3A_529 = arith.addi %select_n3A_404, %add3A_528 : vector<16xi32>
        %add3A_530 = arith.constant 32 : i32
        %add3A_531 = vector.broadcast %add3A_530 : i32 to vector<16xi32>
        %add3A_532 = arith.addi %select_n3A_404, %add3A_531 : vector<16xi32>
        %add3A_533 = arith.constant 48 : i32
        %add3A_534 = vector.broadcast %add3A_533 : i32 to vector<16xi32>
        %add3A_535 = arith.addi %select_n3A_404, %add3A_534 : vector<16xi32>
        %add3A_536 = arith.constant 64 : i32
        %add3A_537 = vector.broadcast %add3A_536 : i32 to vector<16xi32>
        %add3A_538 = arith.addi %select_n3A_404, %add3A_537 : vector<16xi32>
        %add3A_539 = arith.constant 80 : i32
        %add3A_540 = vector.broadcast %add3A_539 : i32 to vector<16xi32>
        %add3A_541 = arith.addi %select_n3A_404, %add3A_540 : vector<16xi32>
        %add3A_542 = arith.constant 96 : i32
        %add3A_543 = vector.broadcast %add3A_542 : i32 to vector<16xi32>
        %add3A_544 = arith.addi %select_n3A_404, %add3A_543 : vector<16xi32>
        %add3A_545 = arith.constant 112 : i32
        %add3A_546 = vector.broadcast %add3A_545 : i32 to vector<16xi32>
        %add3A_547 = arith.addi %select_n3A_404, %add3A_546 : vector<16xi32>
        %gather3A_548 = tpu.vector_load_idx %arg8[%add3A_526, %add3A_165] : memref<128x64xf32, #tpu.memory_space<vmem>>[vector<16xi32>, vector<16xi32>], vector<16xf32>,
        %gather3A_549 = tpu.vector_load_idx %arg8[%add3A_529, %add3A_165] : memref<128x64xf32, #tpu.memory_space<vmem>>[vector<16xi32>, vector<16xi32>], vector<16xf32>,
        %gather3A_550 = tpu.vector_load_idx %arg8[%add3A_532, %add3A_165] : memref<128x64xf32, #tpu.memory_space<vmem>>[vector<16xi32>, vector<16xi32>], vector<16xf32>,
        %gather3A_551 = tpu.vector_load_idx %arg8[%add3A_535, %add3A_165] : memref<128x64xf32, #tpu.memory_space<vmem>>[vector<16xi32>, vector<16xi32>], vector<16xf32>,
        %gather3A_552 = tpu.vector_load_idx %arg8[%add3A_538, %add3A_165] : memref<128x64xf32, #tpu.memory_space<vmem>>[vector<16xi32>, vector<16xi32>], vector<16xf32>,
        %gather3A_553 = tpu.vector_load_idx %arg8[%add3A_541, %add3A_165] : memref<128x64xf32, #tpu.memory_space<vmem>>[vector<16xi32>, vector<16xi32>], vector<16xf32>,
        %gather3A_554 = tpu.vector_load_idx %arg8[%add3A_544, %add3A_165] : memref<128x64xf32, #tpu.memory_space<vmem>>[vector<16xi32>, vector<16xi32>], vector<16xf32>,
        %gather3A_555 = tpu.vector_load_idx %arg8[%add3A_547, %add3A_165] : memref<128x64xf32, #tpu.memory_space<vmem>>[vector<16xi32>, vector<16xi32>], vector<16xf32>,
        %add3A_556 = arith.addi %mul3A_20, %add3A_526 : vector<16xi32>
        tpu.vector_store_idx %arg10[%add3A_153, %add3A_556], %gather3A_548 : memref<8x1024xf32, #tpu.memory_space<vmem>>[vector<16xi32>, vector<16xi32>], vector<16xf32>,
        %add3A_557 = arith.addi %mul3A_20, %add3A_529 : vector<16xi32>
        tpu.vector_store_idx %arg10[%add3A_153, %add3A_557], %gather3A_549 : memref<8x1024xf32, #tpu.memory_space<vmem>>[vector<16xi32>, vector<16xi32>], vector<16xf32>,
        %add3A_558 = arith.addi %mul3A_20, %add3A_532 : vector<16xi32>
        tpu.vector_store_idx %arg10[%add3A_153, %add3A_558], %gather3A_550 : memref<8x1024xf32, #tpu.memory_space<vmem>>[vector<16xi32>, vector<16xi32>], vector<16xf32>,
        %add3A_559 = arith.addi %mul3A_20, %add3A_535 : vector<16xi32>
        tpu.vector_store_idx %arg10[%add3A_153, %add3A_559], %gather3A_551 : memref<8x1024xf32, #tpu.memory_space<vmem>>[vector<16xi32>, vector<16xi32>], vector<16xf32>,
        %add3A_560 = arith.addi %mul3A_20, %add3A_538 : vector<16xi32>
        tpu.vector_store_idx %arg10[%add3A_153, %add3A_560], %gather3A_552 : memref<8x1024xf32, #tpu.memory_space<vmem>>[vector<16xi32>, vector<16xi32>], vector<16xf32>,
        %add3A_561 = arith.addi %mul3A_20, %add3A_541 : vector<16xi32>
        tpu.vector_store_idx %arg10[%add3A_153, %add3A_561], %gather3A_553 : memref<8x1024xf32, #tpu.memory_space<vmem>>[vector<16xi32>, vector<16xi32>], vector<16xf32>,
        %add3A_562 = arith.addi %mul3A_20, %add3A_544 : vector<16xi32>
        tpu.vector_store_idx %arg10[%add3A_153, %add3A_562], %gather3A_554 : memref<8x1024xf32, #tpu.memory_space<vmem>>[vector<16xi32>, vector<16xi32>], vector<16xf32>,
        %add3A_563 = arith.addi %mul3A_20, %add3A_547 : vector<16xi32>
        tpu.vector_store_idx %arg10[%add3A_153, %add3A_563], %gather3A_555 : memref<8x1024xf32, #tpu.memory_space<vmem>>[vector<16xi32>, vector<16xi32>], vector<16xf32>,
        %scan3A_564 = arith.constant 0 : i32
        scf.yield %scan3A_564 : i32
      }
      %scan3A_222 = arith.constant 16 : i32
      %get3A = arith.index_cast %mul3A_200 : i32 to index
      %get3A_223 = arith.constant 0 : index
      %get3A_224 = tpu.vector_load %arg7[%get3A, %get3A_223] {strides = array<i32>} : memref<200x128xf32, #tpu.memory_space<vmem>>, vector<16xf32>,
      %swap3A = arith.constant 7 : i32
      %swap3A_225 = arith.index_cast %swap3A : i32 to index
      %swap3A_226 = arith.constant 896 : index
      %swap3A_227 = tpu.vector_load %arg10[%swap3A_225, %swap3A_226] {strides = array<i32>} : memref<8x1024xf32, #tpu.memory_space<vmem>>, vector<16xf32>,
      tpu.vector_store %arg10[%swap3A_225, %swap3A_226], %get3A_224 {strides = array<i32>} : memref<8x1024xf32, #tpu.memory_space<vmem>>, vector<16xf32>,
      %get3A_228 = arith.index_cast %mul3A_200 : i32 to index
      %get3A_229 = arith.constant 16 : index
      %get3A_230 = tpu.vector_load %arg7[%get3A_228, %get3A_229] {strides = array<i32>} : memref<200x128xf32, #tpu.memory_space<vmem>>, vector<16xf32>,
      %swap3A_231 = arith.constant 7 : i32
      %swap3A_232 = arith.index_cast %swap3A_231 : i32 to index
      %swap3A_233 = arith.constant 912 : index
      %swap3A_234 = tpu.vector_load %arg10[%swap3A_232, %swap3A_233] {strides = array<i32>} : memref<8x1024xf32, #tpu.memory_space<vmem>>, vector<16xf32>,
      tpu.vector_store %arg10[%swap3A_232, %swap3A_233], %get3A_230 {strides = array<i32>} : memref<8x1024xf32, #tpu.memory_space<vmem>>, vector<16xf32>,
      %get3A_235 = arith.index_cast %mul3A_200 : i32 to index
      %get3A_236 = arith.constant 32 : index
      %get3A_237 = tpu.vector_load %arg7[%get3A_235, %get3A_236] {strides = array<i32>} : memref<200x128xf32, #tpu.memory_space<vmem>>, vector<16xf32>,
      %swap3A_238 = arith.constant 7 : i32
      %swap3A_239 = arith.index_cast %swap3A_238 : i32 to index
      %swap3A_240 = arith.constant 928 : index
      %swap3A_241 = tpu.vector_load %arg10[%swap3A_239, %swap3A_240] {strides = array<i32>} : memref<8x1024xf32, #tpu.memory_space<vmem>>, vector<16xf32>,
      tpu.vector_store %arg10[%swap3A_239, %swap3A_240], %get3A_237 {strides = array<i32>} : memref<8x1024xf32, #tpu.memory_space<vmem>>, vector<16xf32>,
      %get3A_242 = arith.index_cast %mul3A_200 : i32 to index
      %get3A_243 = arith.constant 48 : index
      %get3A_244 = tpu.vector_load %arg7[%get3A_242, %get3A_243] {strides = array<i32>} : memref<200x128xf32, #tpu.memory_space<vmem>>, vector<16xf32>,
      %swap3A_245 = arith.constant 7 : i32
      %swap3A_246 = arith.index_cast %swap3A_245 : i32 to index
      %swap3A_247 = arith.constant 944 : index
      %swap3A_248 = tpu.vector_load %arg10[%swap3A_246, %swap3A_247] {strides = array<i32>} : memref<8x1024xf32, #tpu.memory_space<vmem>>, vector<16xf32>,
      tpu.vector_store %arg10[%swap3A_246, %swap3A_247], %get3A_244 {strides = array<i32>} : memref<8x1024xf32, #tpu.memory_space<vmem>>, vector<16xf32>,
      %get3A_249 = arith.index_cast %mul3A_200 : i32 to index
      %get3A_250 = arith.constant 64 : index
      %get3A_251 = tpu.vector_load %arg7[%get3A_249, %get3A_250] {strides = array<i32>} : memref<200x128xf32, #tpu.memory_space<vmem>>, vector<16xf32>,
      %swap3A_252 = arith.constant 7 : i32
      %swap3A_253 = arith.index_cast %swap3A_252 : i32 to index
      %swap3A_254 = arith.constant 960 : index
      %swap3A_255 = tpu.vector_load %arg10[%swap3A_253, %swap3A_254] {strides = array<i32>} : memref<8x1024xf32, #tpu.memory_space<vmem>>, vector<16xf32>,
      tpu.vector_store %arg10[%swap3A_253, %swap3A_254], %get3A_251 {strides = array<i32>} : memref<8x1024xf32, #tpu.memory_space<vmem>>, vector<16xf32>,
      %get3A_256 = arith.index_cast %mul3A_200 : i32 to index
      %get3A_257 = arith.constant 80 : index
      %get3A_258 = tpu.vector_load %arg7[%get3A_256, %get3A_257] {strides = array<i32>} : memref<200x128xf32, #tpu.memory_space<vmem>>, vector<16xf32>,
      %swap3A_259 = arith.constant 7 : i32
      %swap3A_260 = arith.index_cast %swap3A_259 : i32 to index
      %swap3A_261 = arith.constant 976 : index
      %swap3A_262 = tpu.vector_load %arg10[%swap3A_260, %swap3A_261] {strides = array<i32>} : memref<8x1024xf32, #tpu.memory_space<vmem>>, vector<16xf32>,
      tpu.vector_store %arg10[%swap3A_260, %swap3A_261], %get3A_258 {strides = array<i32>} : memref<8x1024xf32, #tpu.memory_space<vmem>>, vector<16xf32>,
      %get3A_263 = arith.index_cast %mul3A_200 : i32 to index
      %get3A_264 = arith.constant 96 : index
      %get3A_265 = tpu.vector_load %arg7[%get3A_263, %get3A_264] {strides = array<i32>} : memref<200x128xf32, #tpu.memory_space<vmem>>, vector<16xf32>,
      %swap3A_266 = arith.constant 7 : i32
      %swap3A_267 = arith.index_cast %swap3A_266 : i32 to index
      %swap3A_268 = arith.constant 992 : index
      %swap3A_269 = tpu.vector_load %arg10[%swap3A_267, %swap3A_268] {strides = array<i32>} : memref<8x1024xf32, #tpu.memory_space<vmem>>, vector<16xf32>,
      tpu.vector_store %arg10[%swap3A_267, %swap3A_268], %get3A_265 {strides = array<i32>} : memref<8x1024xf32, #tpu.memory_space<vmem>>, vector<16xf32>,
      %get3A_270 = arith.index_cast %mul3A_200 : i32 to index
      %get3A_271 = arith.constant 112 : index
      %get3A_272 = tpu.vector_load %arg7[%get3A_270, %get3A_271] {strides = array<i32>} : memref<200x128xf32, #tpu.memory_space<vmem>>, vector<16xf32>,
      %swap3A_273 = arith.constant 7 : i32
      %swap3A_274 = arith.index_cast %swap3A_273 : i32 to index
      %swap3A_275 = arith.constant 1008 : index
      %swap3A_276 = tpu.vector_load %arg10[%swap3A_274, %swap3A_275] {strides = array<i32>} : memref<8x1024xf32, #tpu.memory_space<vmem>>, vector<16xf32>,
      tpu.vector_store %arg10[%swap3A_274, %swap3A_275], %get3A_272 {strides = array<i32>} : memref<8x1024xf32, #tpu.memory_space<vmem>>, vector<16xf32>,
      %dma_start3A_277 = arith.constant 0 : i32
      %dma_start3A_278 = arith.constant 0 : i32
      %dma_start3A_279 = tpu.memref_slice %arg5[%mul3A_200, %dma_start3A_277, %add3A, %dma_start3A_278] : memref<200x8x32x1024xf32, #tpu.memory_space<hbm>> -> memref<1x8x1x1024xf32, #tpu.memory_space<hbm>>
      %dma_start3A_280 = tpu.memref_squeeze %dma_start3A_279 : memref<1x8x1x1024xf32, #tpu.memory_space<hbm>> -> memref<8x1024xf32, #tpu.memory_space<hbm>>
      %dma_start3A_281 = arith.constant 0 : i32
      %dma_start3A_282 = arith.constant 0 : i32
      %dma_start3A_283 = tpu.memref_slice %arg5[%mul3A_200, %dma_start3A_281, %add3A, %dma_start3A_282] : memref<200x8x32x1024xf32, #tpu.memory_space<hbm>> -> memref<1x8x1x1024xf32, #tpu.memory_space<hbm>>
      %dma_start3A_284 = tpu.memref_squeeze %dma_start3A_283 : memref<1x8x1x1024xf32, #tpu.memory_space<hbm>> -> memref<8x1024xf32, #tpu.memory_space<hbm>>
      tpu.enqueue_dma source(%arg10 : memref<8x1024xf32, #tpu.memory_space<vmem>>) target(%dma_start3A_284 : memref<8x1024xf32, #tpu.memory_space<hbm>>) target_semaphore(%arg14 : memref<!tpu.dma_semaphore, #tpu.memory_space<semaphore_mem>>)
      %mul3A_285 = arith.constant 2 : i32
      %mul3A_286 = arith.muli %scan3A_197, %mul3A_285 : i32
      %add3A_287 = arith.constant 1 : i32
      %add3A_288 = arith.addi %mul3A_286, %add3A_287 : i32
      %ge3A_289 = arith.constant 2 : i32
      %ge3A_290 = arith.cmpi sge, %add3A_288, %ge3A_289 : i32
      %convert_element_type3A_291 = arith.extui %ge3A_290 : i1 to i32
      %cond3A_292 = arith.constant 0 : i32
      %cond3A_293 = arith.cmpi ne, %convert_element_type3A_291, %cond3A_292 : i32
      scf.if %cond3A_293 {
        %dma_wait3A_379 = arith.constant 0 : i32
        %dma_wait3A_380 = arith.constant 0 : i32
        %dma_wait3A_381 = arith.constant 0 : i32
        %dma_wait3A_382 = arith.constant 0 : i32
        %dma_wait3A_383 = tpu.memref_slice %arg5[%dma_wait3A_379, %dma_wait3A_381, %dma_wait3A_380, %dma_wait3A_382] : memref<200x8x32x1024xf32, #tpu.memory_space<hbm>> -> memref<1x8x1x1024xf32, #tpu.memory_space<hbm>>
        %dma_wait3A_384 = tpu.memref_squeeze %dma_wait3A_383 : memref<1x8x1x1024xf32, #tpu.memory_space<hbm>> -> memref<8x1024xf32, #tpu.memory_space<hbm>>
        %dma_wait3A_385 = arith.constant 0 : i32
        %dma_wait3A_386 = arith.constant 0 : i32
        %dma_wait3A_387 = tpu.memref_slice %arg5[%dma_wait3A_379, %dma_wait3A_385, %dma_wait3A_380, %dma_wait3A_386] : memref<200x8x32x1024xf32, #tpu.memory_space<hbm>> -> memref<1x8x1x1024xf32, #tpu.memory_space<hbm>>
        %dma_wait3A_388 = tpu.memref_squeeze %dma_wait3A_387 : memref<1x8x1x1024xf32, #tpu.memory_space<hbm>> -> memref<8x1024xf32, #tpu.memory_space<hbm>>
        tpu.wait_dma2 semaphore(%arg15 : memref<!tpu.dma_semaphore, #tpu.memory_space<semaphore_mem>>) src(%arg11 : memref<8x1024xf32, #tpu.memory_space<vmem>>) dst(%dma_wait3A_388 : memref<8x1024xf32, #tpu.memory_space<hbm>>)
      } else {
      }
      %add3A_294 = arith.constant 1 : i32
      %add3A_295 = arith.addi %add3A_288, %add3A_294 : i32
      %lt3A_296 = arith.constant 200 : i32
      %lt3A_297 = arith.cmpi slt, %add3A_295, %lt3A_296 : i32
      %convert_element_type3A_298 = arith.extui %lt3A_297 : i1 to i32
      %cond3A_299 = arith.constant 0 : i32
      %cond3A_300 = arith.cmpi ne, %convert_element_type3A_298, %cond3A_299 : i32
      scf.if %cond3A_300 {
        %add3A_379 = arith.constant 1 : i32
        %add3A_380 = arith.addi %add3A_288, %add3A_379 : i32
        %dma_start3A_381 = arith.constant 0 : i32
        %dma_start3A_382 = tpu.memref_slice %arg6[%add3A_380, %dma_start3A_381] : memref<200x128xi32, #tpu.memory_space<vmem>> -> memref<1x128xi32, #tpu.memory_space<vmem>>
        %dma_start3A_383 = tpu.memref_squeeze %dma_start3A_382 : memref<1x128xi32, #tpu.memory_space<vmem>> -> memref<128xi32, #tpu.memory_space<vmem>>
        %dma_start3A_384 = arith.constant 0 : i32
        %dma_start3A_385 = arith.constant 0 : i32
        %dma_start3A_386 = tpu.memref_slice %arg2[%dma_start3A_384, %dma_start3A_385] : memref<100000x64xf32, #tpu.memory_space<hbm>> -> memref<100000x64xf32, #tpu.memory_space<hbm>>
        tpu.enqueue_indirect_dma source(%dma_start3A_386 : memref<100000x64xf32, #tpu.memory_space<hbm>>) target(%arg8 : memref<128x64xf32, #tpu.memory_space<vmem>>) offsets(%dma_start3A_383 : memref<128xi32, #tpu.memory_space<vmem>>) semaphore(%arg12 : memref<!tpu.dma_semaphore, #tpu.memory_space<semaphore_mem>>)
      } else {
      }
      %dma_wait3A_301 = arith.constant 0 : i32
      %dma_wait3A_302 = arith.constant 0 : i32
      %dma_wait3A_303 = tpu.memref_slice %arg2[%dma_wait3A_301, %dma_wait3A_302] : memref<100000x64xf32, #tpu.memory_space<hbm>> -> memref<128x64xf32, #tpu.memory_space<hbm>>
      %dma_wait3A_304 = arith.constant 0 : i32
      %dma_wait3A_305 = arith.constant 0 : i32
      %dma_wait3A_306 = tpu.memref_slice %arg2[%dma_wait3A_304, %dma_wait3A_305] : memref<100000x64xf32, #tpu.memory_space<hbm>> -> memref<128x64xf32, #tpu.memory_space<hbm>>
      tpu.wait_dma2 semaphore(%arg13 : memref<!tpu.dma_semaphore, #tpu.memory_space<semaphore_mem>>) src(%dma_wait3A_306 : memref<128x64xf32, #tpu.memory_space<hbm>>) dst(%arg9 : memref<128x64xf32, #tpu.memory_space<vmem>>)
      %scan3A_307 = arith.constant 0 : i32
      %scan3A_308 = arith.constant 0 : i32
      %scan3A_309 = arith.constant 16 : i32
      %scan3A_310 = arith.addi %scan3A_308, %scan3A_309 : i32
      %scan3A_311 = arith.constant 1 : i32
      %scan3A_312 = scf.for %scan3A_379 = %scan3A_308 to %scan3A_310 step %scan3A_311 iter_args(%scan3A_380 = %scan3A_307) -> (i32)  : i32 {
        %add3A_381 = vector.broadcast %scan3A_379 : i32 to vector<16xi32>
        %add3A_382 = arith.addi %iota3A, %add3A_381 : vector<16xi32>
        %jit3A_383 = arith.constant 16 : i32
        %eq3A_384 = arith.constant 0 : i32
        %eq3A_385 = arith.cmpi eq, %jit3A_383, %eq3A_384 : i32
        %jit3A_386 = arith.constant 1 : i32
        %select_n3A_387 = arith.select %eq3A_385, %jit3A_386, %jit3A_383 : i32
        %rem3A_388 = vector.broadcast %select_n3A_387 : i32 to vector<16xi32>
        %rem3A_389 = arith.remsi %add3A_382, %rem3A_388 : vector<16xi32>
        %ne3A_390 = arith.constant 0 : i32
        %ne3A_391 = vector.broadcast %ne3A_390 : i32 to vector<16xi32>
        %ne3A_392 = arith.cmpi ne, %rem3A_389, %ne3A_391 : vector<16xi32>
        %lt3A_393 = arith.constant 0 : i32
        %lt3A_394 = vector.broadcast %lt3A_393 : i32 to vector<16xi32>
        %lt3A_395 = arith.cmpi slt, %rem3A_389, %lt3A_394 : vector<16xi32>
        %lt3A_396 = arith.constant 0 : i32
        %lt3A_397 = arith.cmpi slt, %select_n3A_387, %lt3A_396 : i32
        %ne3A_398 = vector.broadcast %lt3A_397 : i1 to vector<16xi1>
        %ne3A_399 = vector.broadcast %ne3A_398 : vector<16xi1> to vector<16xi1>
        %ne3A_400 = arith.xori %lt3A_395, %ne3A_399 : vector<16xi1>
        %and3A_401 = arith.andi %ne3A_400, %ne3A_392 : vector<16xi1>
        %add3A_402 = vector.broadcast %select_n3A_387 : i32 to vector<16xi32>
        %add3A_403 = arith.addi %rem3A_389, %add3A_402 : vector<16xi32>
        %select_n3A_404 = arith.select %and3A_401, %add3A_403, %rem3A_389 : vector<16xi1>, vector<16xi32>
        %add3A_405 = arith.constant 0 : i32
        %add3A_406 = vector.broadcast %add3A_405 : i32 to vector<16xi32>
        %add3A_407 = arith.addi %select_n3A_404, %add3A_406 : vector<16xi32>
        %add3A_408 = arith.constant 16 : i32
        %add3A_409 = vector.broadcast %add3A_408 : i32 to vector<16xi32>
        %add3A_410 = arith.addi %select_n3A_404, %add3A_409 : vector<16xi32>
        %add3A_411 = arith.constant 32 : i32
        %add3A_412 = vector.broadcast %add3A_411 : i32 to vector<16xi32>
        %add3A_413 = arith.addi %select_n3A_404, %add3A_412 : vector<16xi32>
        %add3A_414 = arith.constant 48 : i32
        %add3A_415 = vector.broadcast %add3A_414 : i32 to vector<16xi32>
        %add3A_416 = arith.addi %select_n3A_404, %add3A_415 : vector<16xi32>
        %add3A_417 = arith.constant 64 : i32
        %add3A_418 = vector.broadcast %add3A_417 : i32 to vector<16xi32>
        %add3A_419 = arith.addi %select_n3A_404, %add3A_418 : vector<16xi32>
        %add3A_420 = arith.constant 80 : i32
        %add3A_421 = vector.broadcast %add3A_420 : i32 to vector<16xi32>
        %add3A_422 = arith.addi %select_n3A_404, %add3A_421 : vector<16xi32>
        %add3A_423 = arith.constant 96 : i32
        %add3A_424 = vector.broadcast %add3A_423 : i32 to vector<16xi32>
        %add3A_425 = arith.addi %select_n3A_404, %add3A_424 : vector<16xi32>
        %add3A_426 = arith.constant 112 : i32
        %add3A_427 = vector.broadcast %add3A_426 : i32 to vector<16xi32>
        %add3A_428 = arith.addi %select_n3A_404, %add3A_427 : vector<16xi32>
        %gather3A = tpu.vector_load_idx %arg9[%add3A_407, %add3A_156] : memref<128x64xf32, #tpu.memory_space<vmem>>[vector<16xi32>, vector<16xi32>], vector<16xf32>,
        %gather3A_429 = tpu.vector_load_idx %arg9[%add3A_410, %add3A_156] : memref<128x64xf32, #tpu.memory_space<vmem>>[vector<16xi32>, vector<16xi32>], vector<16xf32>,
        %gather3A_430 = tpu.vector_load_idx %arg9[%add3A_413, %add3A_156] : memref<128x64xf32, #tpu.memory_space<vmem>>[vector<16xi32>, vector<16xi32>], vector<16xf32>,
        %gather3A_431 = tpu.vector_load_idx %arg9[%add3A_416, %add3A_156] : memref<128x64xf32, #tpu.memory_space<vmem>>[vector<16xi32>, vector<16xi32>], vector<16xf32>,
        %gather3A_432 = tpu.vector_load_idx %arg9[%add3A_419, %add3A_156] : memref<128x64xf32, #tpu.memory_space<vmem>>[vector<16xi32>, vector<16xi32>], vector<16xf32>,
        %gather3A_433 = tpu.vector_load_idx %arg9[%add3A_422, %add3A_156] : memref<128x64xf32, #tpu.memory_space<vmem>>[vector<16xi32>, vector<16xi32>], vector<16xf32>,
        %gather3A_434 = tpu.vector_load_idx %arg9[%add3A_425, %add3A_156] : memref<128x64xf32, #tpu.memory_space<vmem>>[vector<16xi32>, vector<16xi32>], vector<16xf32>,
        %gather3A_435 = tpu.vector_load_idx %arg9[%add3A_428, %add3A_156] : memref<128x64xf32, #tpu.memory_space<vmem>>[vector<16xi32>, vector<16xi32>], vector<16xf32>,
        %add3A_436 = arith.addi %mul3A_20, %add3A_407 : vector<16xi32>
        tpu.vector_store_idx %arg11[%add3A_51, %add3A_436], %gather3A : memref<8x1024xf32, #tpu.memory_space<vmem>>[vector<16xi32>, vector<16xi32>], vector<16xf32>,
        %add3A_437 = arith.addi %mul3A_20, %add3A_410 : vector<16xi32>
        tpu.vector_store_idx %arg11[%add3A_51, %add3A_437], %gather3A_429 : memref<8x1024xf32, #tpu.memory_space<vmem>>[vector<16xi32>, vector<16xi32>], vector<16xf32>,
        %add3A_438 = arith.addi %mul3A_20, %add3A_413 : vector<16xi32>
        tpu.vector_store_idx %arg11[%add3A_51, %add3A_438], %gather3A_430 : memref<8x1024xf32, #tpu.memory_space<vmem>>[vector<16xi32>, vector<16xi32>], vector<16xf32>,
        %add3A_439 = arith.addi %mul3A_20, %add3A_416 : vector<16xi32>
        tpu.vector_store_idx %arg11[%add3A_51, %add3A_439], %gather3A_431 : memref<8x1024xf32, #tpu.memory_space<vmem>>[vector<16xi32>, vector<16xi32>], vector<16xf32>,
        %add3A_440 = arith.addi %mul3A_20, %add3A_419 : vector<16xi32>
        tpu.vector_store_idx %arg11[%add3A_51, %add3A_440], %gather3A_432 : memref<8x1024xf32, #tpu.memory_space<vmem>>[vector<16xi32>, vector<16xi32>], vector<16xf32>,
        %add3A_441 = arith.addi %mul3A_20, %add3A_422 : vector<16xi32>
        tpu.vector_store_idx %arg11[%add3A_51, %add3A_441], %gather3A_433 : memref<8x1024xf32, #tpu.memory_space<vmem>>[vector<16xi32>, vector<16xi32>], vector<16xf32>,
        %add3A_442 = arith.addi %mul3A_20, %add3A_425 : vector<16xi32>
        tpu.vector_store_idx %arg11[%add3A_51, %add3A_442], %gather3A_434 : memref<8x1024xf32, #tpu.memory_space<vmem>>[vector<16xi32>, vector<16xi32>], vector<16xf32>,
        %add3A_443 = arith.addi %mul3A_20, %add3A_428 : vector<16xi32>
        tpu.vector_store_idx %arg11[%add3A_51, %add3A_443], %gather3A_435 : memref<8x1024xf32, #tpu.memory_space<vmem>>[vector<16xi32>, vector<16xi32>], vector<16xf32>,
        %add3A_444 = arith.constant 0 : i32
        %add3A_445 = vector.broadcast %add3A_444 : i32 to vector<16xi32>
        %add3A_446 = arith.addi %select_n3A_404, %add3A_445 : vector<16xi32>
        %add3A_447 = arith.constant 16 : i32
        %add3A_448 = vector.broadcast %add3A_447 : i32 to vector<16xi32>
        %add3A_449 = arith.addi %select_n3A_404, %add3A_448 : vector<16xi32>
        %add3A_450 = arith.constant 32 : i32
        %add3A_451 = vector.broadcast %add3A_450 : i32 to vector<16xi32>
        %add3A_452 = arith.addi %select_n3A_404, %add3A_451 : vector<16xi32>
        %add3A_453 = arith.constant 48 : i32
        %add3A_454 = vector.broadcast %add3A_453 : i32 to vector<16xi32>
        %add3A_455 = arith.addi %select_n3A_404, %add3A_454 : vector<16xi32>
        %add3A_456 = arith.constant 64 : i32
        %add3A_457 = vector.broadcast %add3A_456 : i32 to vector<16xi32>
        %add3A_458 = arith.addi %select_n3A_404, %add3A_457 : vector<16xi32>
        %add3A_459 = arith.constant 80 : i32
        %add3A_460 = vector.broadcast %add3A_459 : i32 to vector<16xi32>
        %add3A_461 = arith.addi %select_n3A_404, %add3A_460 : vector<16xi32>
        %add3A_462 = arith.constant 96 : i32
        %add3A_463 = vector.broadcast %add3A_462 : i32 to vector<16xi32>
        %add3A_464 = arith.addi %select_n3A_404, %add3A_463 : vector<16xi32>
        %add3A_465 = arith.constant 112 : i32
        %add3A_466 = vector.broadcast %add3A_465 : i32 to vector<16xi32>
        %add3A_467 = arith.addi %select_n3A_404, %add3A_466 : vector<16xi32>
        %gather3A_468 = tpu.vector_load_idx %arg9[%add3A_446, %add3A_159] : memref<128x64xf32, #tpu.memory_space<vmem>>[vector<16xi32>, vector<16xi32>], vector<16xf32>,
        %gather3A_469 = tpu.vector_load_idx %arg9[%add3A_449, %add3A_159] : memref<128x64xf32, #tpu.memory_space<vmem>>[vector<16xi32>, vector<16xi32>], vector<16xf32>,
        %gather3A_470 = tpu.vector_load_idx %arg9[%add3A_452, %add3A_159] : memref<128x64xf32, #tpu.memory_space<vmem>>[vector<16xi32>, vector<16xi32>], vector<16xf32>,
        %gather3A_471 = tpu.vector_load_idx %arg9[%add3A_455, %add3A_159] : memref<128x64xf32, #tpu.memory_space<vmem>>[vector<16xi32>, vector<16xi32>], vector<16xf32>,
        %gather3A_472 = tpu.vector_load_idx %arg9[%add3A_458, %add3A_159] : memref<128x64xf32, #tpu.memory_space<vmem>>[vector<16xi32>, vector<16xi32>], vector<16xf32>,
        %gather3A_473 = tpu.vector_load_idx %arg9[%add3A_461, %add3A_159] : memref<128x64xf32, #tpu.memory_space<vmem>>[vector<16xi32>, vector<16xi32>], vector<16xf32>,
        %gather3A_474 = tpu.vector_load_idx %arg9[%add3A_464, %add3A_159] : memref<128x64xf32, #tpu.memory_space<vmem>>[vector<16xi32>, vector<16xi32>], vector<16xf32>,
        %gather3A_475 = tpu.vector_load_idx %arg9[%add3A_467, %add3A_159] : memref<128x64xf32, #tpu.memory_space<vmem>>[vector<16xi32>, vector<16xi32>], vector<16xf32>,
        %add3A_476 = arith.addi %mul3A_20, %add3A_446 : vector<16xi32>
        tpu.vector_store_idx %arg11[%add3A_85, %add3A_476], %gather3A_468 : memref<8x1024xf32, #tpu.memory_space<vmem>>[vector<16xi32>, vector<16xi32>], vector<16xf32>,
        %add3A_477 = arith.addi %mul3A_20, %add3A_449 : vector<16xi32>
        tpu.vector_store_idx %arg11[%add3A_85, %add3A_477], %gather3A_469 : memref<8x1024xf32, #tpu.memory_space<vmem>>[vector<16xi32>, vector<16xi32>], vector<16xf32>,
        %add3A_478 = arith.addi %mul3A_20, %add3A_452 : vector<16xi32>
        tpu.vector_store_idx %arg11[%add3A_85, %add3A_478], %gather3A_470 : memref<8x1024xf32, #tpu.memory_space<vmem>>[vector<16xi32>, vector<16xi32>], vector<16xf32>,
        %add3A_479 = arith.addi %mul3A_20, %add3A_455 : vector<16xi32>
        tpu.vector_store_idx %arg11[%add3A_85, %add3A_479], %gather3A_471 : memref<8x1024xf32, #tpu.memory_space<vmem>>[vector<16xi32>, vector<16xi32>], vector<16xf32>,
        %add3A_480 = arith.addi %mul3A_20, %add3A_458 : vector<16xi32>
        tpu.vector_store_idx %arg11[%add3A_85, %add3A_480], %gather3A_472 : memref<8x1024xf32, #tpu.memory_space<vmem>>[vector<16xi32>, vector<16xi32>], vector<16xf32>,
        %add3A_481 = arith.addi %mul3A_20, %add3A_461 : vector<16xi32>
        tpu.vector_store_idx %arg11[%add3A_85, %add3A_481], %gather3A_473 : memref<8x1024xf32, #tpu.memory_space<vmem>>[vector<16xi32>, vector<16xi32>], vector<16xf32>,
        %add3A_482 = arith.addi %mul3A_20, %add3A_464 : vector<16xi32>
        tpu.vector_store_idx %arg11[%add3A_85, %add3A_482], %gather3A_474 : memref<8x1024xf32, #tpu.memory_space<vmem>>[vector<16xi32>, vector<16xi32>], vector<16xf32>,
        %add3A_483 = arith.addi %mul3A_20, %add3A_467 : vector<16xi32>
        tpu.vector_store_idx %arg11[%add3A_85, %add3A_483], %gather3A_475 : memref<8x1024xf32, #tpu.memory_space<vmem>>[vector<16xi32>, vector<16xi32>], vector<16xf32>,
        %add3A_484 = arith.constant 0 : i32
        %add3A_485 = vector.broadcast %add3A_484 : i32 to vector<16xi32>
        %add3A_486 = arith.addi %select_n3A_404, %add3A_485 : vector<16xi32>
        %add3A_487 = arith.constant 16 : i32
        %add3A_488 = vector.broadcast %add3A_487 : i32 to vector<16xi32>
        %add3A_489 = arith.addi %select_n3A_404, %add3A_488 : vector<16xi32>
        %add3A_490 = arith.constant 32 : i32
        %add3A_491 = vector.broadcast %add3A_490 : i32 to vector<16xi32>
        %add3A_492 = arith.addi %select_n3A_404, %add3A_491 : vector<16xi32>
        %add3A_493 = arith.constant 48 : i32
        %add3A_494 = vector.broadcast %add3A_493 : i32 to vector<16xi32>
        %add3A_495 = arith.addi %select_n3A_404, %add3A_494 : vector<16xi32>
        %add3A_496 = arith.constant 64 : i32
        %add3A_497 = vector.broadcast %add3A_496 : i32 to vector<16xi32>
        %add3A_498 = arith.addi %select_n3A_404, %add3A_497 : vector<16xi32>
        %add3A_499 = arith.constant 80 : i32
        %add3A_500 = vector.broadcast %add3A_499 : i32 to vector<16xi32>
        %add3A_501 = arith.addi %select_n3A_404, %add3A_500 : vector<16xi32>
        %add3A_502 = arith.constant 96 : i32
        %add3A_503 = vector.broadcast %add3A_502 : i32 to vector<16xi32>
        %add3A_504 = arith.addi %select_n3A_404, %add3A_503 : vector<16xi32>
        %add3A_505 = arith.constant 112 : i32
        %add3A_506 = vector.broadcast %add3A_505 : i32 to vector<16xi32>
        %add3A_507 = arith.addi %select_n3A_404, %add3A_506 : vector<16xi32>
        %gather3A_508 = tpu.vector_load_idx %arg9[%add3A_486, %add3A_162] : memref<128x64xf32, #tpu.memory_space<vmem>>[vector<16xi32>, vector<16xi32>], vector<16xf32>,
        %gather3A_509 = tpu.vector_load_idx %arg9[%add3A_489, %add3A_162] : memref<128x64xf32, #tpu.memory_space<vmem>>[vector<16xi32>, vector<16xi32>], vector<16xf32>,
        %gather3A_510 = tpu.vector_load_idx %arg9[%add3A_492, %add3A_162] : memref<128x64xf32, #tpu.memory_space<vmem>>[vector<16xi32>, vector<16xi32>], vector<16xf32>,
        %gather3A_511 = tpu.vector_load_idx %arg9[%add3A_495, %add3A_162] : memref<128x64xf32, #tpu.memory_space<vmem>>[vector<16xi32>, vector<16xi32>], vector<16xf32>,
        %gather3A_512 = tpu.vector_load_idx %arg9[%add3A_498, %add3A_162] : memref<128x64xf32, #tpu.memory_space<vmem>>[vector<16xi32>, vector<16xi32>], vector<16xf32>,
        %gather3A_513 = tpu.vector_load_idx %arg9[%add3A_501, %add3A_162] : memref<128x64xf32, #tpu.memory_space<vmem>>[vector<16xi32>, vector<16xi32>], vector<16xf32>,
        %gather3A_514 = tpu.vector_load_idx %arg9[%add3A_504, %add3A_162] : memref<128x64xf32, #tpu.memory_space<vmem>>[vector<16xi32>, vector<16xi32>], vector<16xf32>,
        %gather3A_515 = tpu.vector_load_idx %arg9[%add3A_507, %add3A_162] : memref<128x64xf32, #tpu.memory_space<vmem>>[vector<16xi32>, vector<16xi32>], vector<16xf32>,
        %add3A_516 = arith.addi %mul3A_20, %add3A_486 : vector<16xi32>
        tpu.vector_store_idx %arg11[%add3A_119, %add3A_516], %gather3A_508 : memref<8x1024xf32, #tpu.memory_space<vmem>>[vector<16xi32>, vector<16xi32>], vector<16xf32>,
        %add3A_517 = arith.addi %mul3A_20, %add3A_489 : vector<16xi32>
        tpu.vector_store_idx %arg11[%add3A_119, %add3A_517], %gather3A_509 : memref<8x1024xf32, #tpu.memory_space<vmem>>[vector<16xi32>, vector<16xi32>], vector<16xf32>,
        %add3A_518 = arith.addi %mul3A_20, %add3A_492 : vector<16xi32>
        tpu.vector_store_idx %arg11[%add3A_119, %add3A_518], %gather3A_510 : memref<8x1024xf32, #tpu.memory_space<vmem>>[vector<16xi32>, vector<16xi32>], vector<16xf32>,
        %add3A_519 = arith.addi %mul3A_20, %add3A_495 : vector<16xi32>
        tpu.vector_store_idx %arg11[%add3A_119, %add3A_519], %gather3A_511 : memref<8x1024xf32, #tpu.memory_space<vmem>>[vector<16xi32>, vector<16xi32>], vector<16xf32>,
        %add3A_520 = arith.addi %mul3A_20, %add3A_498 : vector<16xi32>
        tpu.vector_store_idx %arg11[%add3A_119, %add3A_520], %gather3A_512 : memref<8x1024xf32, #tpu.memory_space<vmem>>[vector<16xi32>, vector<16xi32>], vector<16xf32>,
        %add3A_521 = arith.addi %mul3A_20, %add3A_501 : vector<16xi32>
        tpu.vector_store_idx %arg11[%add3A_119, %add3A_521], %gather3A_513 : memref<8x1024xf32, #tpu.memory_space<vmem>>[vector<16xi32>, vector<16xi32>], vector<16xf32>,
        %add3A_522 = arith.addi %mul3A_20, %add3A_504 : vector<16xi32>
        tpu.vector_store_idx %arg11[%add3A_119, %add3A_522], %gather3A_514 : memref<8x1024xf32, #tpu.memory_space<vmem>>[vector<16xi32>, vector<16xi32>], vector<16xf32>,
        %add3A_523 = arith.addi %mul3A_20, %add3A_507 : vector<16xi32>
        tpu.vector_store_idx %arg11[%add3A_119, %add3A_523], %gather3A_515 : memref<8x1024xf32, #tpu.memory_space<vmem>>[vector<16xi32>, vector<16xi32>], vector<16xf32>,
        %add3A_524 = arith.constant 0 : i32
        %add3A_525 = vector.broadcast %add3A_524 : i32 to vector<16xi32>
        %add3A_526 = arith.addi %select_n3A_404, %add3A_525 : vector<16xi32>
        %add3A_527 = arith.constant 16 : i32
        %add3A_528 = vector.broadcast %add3A_527 : i32 to vector<16xi32>
        %add3A_529 = arith.addi %select_n3A_404, %add3A_528 : vector<16xi32>
        %add3A_530 = arith.constant 32 : i32
        %add3A_531 = vector.broadcast %add3A_530 : i32 to vector<16xi32>
        %add3A_532 = arith.addi %select_n3A_404, %add3A_531 : vector<16xi32>
        %add3A_533 = arith.constant 48 : i32
        %add3A_534 = vector.broadcast %add3A_533 : i32 to vector<16xi32>
        %add3A_535 = arith.addi %select_n3A_404, %add3A_534 : vector<16xi32>
        %add3A_536 = arith.constant 64 : i32
        %add3A_537 = vector.broadcast %add3A_536 : i32 to vector<16xi32>
        %add3A_538 = arith.addi %select_n3A_404, %add3A_537 : vector<16xi32>
        %add3A_539 = arith.constant 80 : i32
        %add3A_540 = vector.broadcast %add3A_539 : i32 to vector<16xi32>
        %add3A_541 = arith.addi %select_n3A_404, %add3A_540 : vector<16xi32>
        %add3A_542 = arith.constant 96 : i32
        %add3A_543 = vector.broadcast %add3A_542 : i32 to vector<16xi32>
        %add3A_544 = arith.addi %select_n3A_404, %add3A_543 : vector<16xi32>
        %add3A_545 = arith.constant 112 : i32
        %add3A_546 = vector.broadcast %add3A_545 : i32 to vector<16xi32>
        %add3A_547 = arith.addi %select_n3A_404, %add3A_546 : vector<16xi32>
        %gather3A_548 = tpu.vector_load_idx %arg9[%add3A_526, %add3A_165] : memref<128x64xf32, #tpu.memory_space<vmem>>[vector<16xi32>, vector<16xi32>], vector<16xf32>,
        %gather3A_549 = tpu.vector_load_idx %arg9[%add3A_529, %add3A_165] : memref<128x64xf32, #tpu.memory_space<vmem>>[vector<16xi32>, vector<16xi32>], vector<16xf32>,
        %gather3A_550 = tpu.vector_load_idx %arg9[%add3A_532, %add3A_165] : memref<128x64xf32, #tpu.memory_space<vmem>>[vector<16xi32>, vector<16xi32>], vector<16xf32>,
        %gather3A_551 = tpu.vector_load_idx %arg9[%add3A_535, %add3A_165] : memref<128x64xf32, #tpu.memory_space<vmem>>[vector<16xi32>, vector<16xi32>], vector<16xf32>,
        %gather3A_552 = tpu.vector_load_idx %arg9[%add3A_538, %add3A_165] : memref<128x64xf32, #tpu.memory_space<vmem>>[vector<16xi32>, vector<16xi32>], vector<16xf32>,
        %gather3A_553 = tpu.vector_load_idx %arg9[%add3A_541, %add3A_165] : memref<128x64xf32, #tpu.memory_space<vmem>>[vector<16xi32>, vector<16xi32>], vector<16xf32>,
        %gather3A_554 = tpu.vector_load_idx %arg9[%add3A_544, %add3A_165] : memref<128x64xf32, #tpu.memory_space<vmem>>[vector<16xi32>, vector<16xi32>], vector<16xf32>,
        %gather3A_555 = tpu.vector_load_idx %arg9[%add3A_547, %add3A_165] : memref<128x64xf32, #tpu.memory_space<vmem>>[vector<16xi32>, vector<16xi32>], vector<16xf32>,
        %add3A_556 = arith.addi %mul3A_20, %add3A_526 : vector<16xi32>
        tpu.vector_store_idx %arg11[%add3A_153, %add3A_556], %gather3A_548 : memref<8x1024xf32, #tpu.memory_space<vmem>>[vector<16xi32>, vector<16xi32>], vector<16xf32>,
        %add3A_557 = arith.addi %mul3A_20, %add3A_529 : vector<16xi32>
        tpu.vector_store_idx %arg11[%add3A_153, %add3A_557], %gather3A_549 : memref<8x1024xf32, #tpu.memory_space<vmem>>[vector<16xi32>, vector<16xi32>], vector<16xf32>,
        %add3A_558 = arith.addi %mul3A_20, %add3A_532 : vector<16xi32>
        tpu.vector_store_idx %arg11[%add3A_153, %add3A_558], %gather3A_550 : memref<8x1024xf32, #tpu.memory_space<vmem>>[vector<16xi32>, vector<16xi32>], vector<16xf32>,
        %add3A_559 = arith.addi %mul3A_20, %add3A_535 : vector<16xi32>
        tpu.vector_store_idx %arg11[%add3A_153, %add3A_559], %gather3A_551 : memref<8x1024xf32, #tpu.memory_space<vmem>>[vector<16xi32>, vector<16xi32>], vector<16xf32>,
        %add3A_560 = arith.addi %mul3A_20, %add3A_538 : vector<16xi32>
        tpu.vector_store_idx %arg11[%add3A_153, %add3A_560], %gather3A_552 : memref<8x1024xf32, #tpu.memory_space<vmem>>[vector<16xi32>, vector<16xi32>], vector<16xf32>,
        %add3A_561 = arith.addi %mul3A_20, %add3A_541 : vector<16xi32>
        tpu.vector_store_idx %arg11[%add3A_153, %add3A_561], %gather3A_553 : memref<8x1024xf32, #tpu.memory_space<vmem>>[vector<16xi32>, vector<16xi32>], vector<16xf32>,
        %add3A_562 = arith.addi %mul3A_20, %add3A_544 : vector<16xi32>
        tpu.vector_store_idx %arg11[%add3A_153, %add3A_562], %gather3A_554 : memref<8x1024xf32, #tpu.memory_space<vmem>>[vector<16xi32>, vector<16xi32>], vector<16xf32>,
        %add3A_563 = arith.addi %mul3A_20, %add3A_547 : vector<16xi32>
        tpu.vector_store_idx %arg11[%add3A_153, %add3A_563], %gather3A_555 : memref<8x1024xf32, #tpu.memory_space<vmem>>[vector<16xi32>, vector<16xi32>], vector<16xf32>,
        %scan3A_564 = arith.constant 0 : i32
        scf.yield %scan3A_564 : i32
      }
      %scan3A_313 = arith.constant 16 : i32
      %get3A_314 = arith.index_cast %add3A_288 : i32 to index
      %get3A_315 = arith.constant 0 : index
      %get3A_316 = tpu.vector_load %arg7[%get3A_314, %get3A_315] {strides = array<i32>} : memref<200x128xf32, #tpu.memory_space<vmem>>, vector<16xf32>,
      %swap3A_317 = arith.constant 7 : i32
      %swap3A_318 = arith.index_cast %swap3A_317 : i32 to index
      %swap3A_319 = arith.constant 896 : index
      %swap3A_320 = tpu.vector_load %arg11[%swap3A_318, %swap3A_319] {strides = array<i32>} : memref<8x1024xf32, #tpu.memory_space<vmem>>, vector<16xf32>,
      tpu.vector_store %arg11[%swap3A_318, %swap3A_319], %get3A_316 {strides = array<i32>} : memref<8x1024xf32, #tpu.memory_space<vmem>>, vector<16xf32>,
      %get3A_321 = arith.index_cast %add3A_288 : i32 to index
      %get3A_322 = arith.constant 16 : index
      %get3A_323 = tpu.vector_load %arg7[%get3A_321, %get3A_322] {strides = array<i32>} : memref<200x128xf32, #tpu.memory_space<vmem>>, vector<16xf32>,
      %swap3A_324 = arith.constant 7 : i32
      %swap3A_325 = arith.index_cast %swap3A_324 : i32 to index
      %swap3A_326 = arith.constant 912 : index
      %swap3A_327 = tpu.vector_load %arg11[%swap3A_325, %swap3A_326] {strides = array<i32>} : memref<8x1024xf32, #tpu.memory_space<vmem>>, vector<16xf32>,
      tpu.vector_store %arg11[%swap3A_325, %swap3A_326], %get3A_323 {strides = array<i32>} : memref<8x1024xf32, #tpu.memory_space<vmem>>, vector<16xf32>,
      %get3A_328 = arith.index_cast %add3A_288 : i32 to index
      %get3A_329 = arith.constant 32 : index
      %get3A_330 = tpu.vector_load %arg7[%get3A_328, %get3A_329] {strides = array<i32>} : memref<200x128xf32, #tpu.memory_space<vmem>>, vector<16xf32>,
      %swap3A_331 = arith.constant 7 : i32
      %swap3A_332 = arith.index_cast %swap3A_331 : i32 to index
      %swap3A_333 = arith.constant 928 : index
      %swap3A_334 = tpu.vector_load %arg11[%swap3A_332, %swap3A_333] {strides = array<i32>} : memref<8x1024xf32, #tpu.memory_space<vmem>>, vector<16xf32>,
      tpu.vector_store %arg11[%swap3A_332, %swap3A_333], %get3A_330 {strides = array<i32>} : memref<8x1024xf32, #tpu.memory_space<vmem>>, vector<16xf32>,
      %get3A_335 = arith.index_cast %add3A_288 : i32 to index
      %get3A_336 = arith.constant 48 : index
      %get3A_337 = tpu.vector_load %arg7[%get3A_335, %get3A_336] {strides = array<i32>} : memref<200x128xf32, #tpu.memory_space<vmem>>, vector<16xf32>,
      %swap3A_338 = arith.constant 7 : i32
      %swap3A_339 = arith.index_cast %swap3A_338 : i32 to index
      %swap3A_340 = arith.constant 944 : index
      %swap3A_341 = tpu.vector_load %arg11[%swap3A_339, %swap3A_340] {strides = array<i32>} : memref<8x1024xf32, #tpu.memory_space<vmem>>, vector<16xf32>,
      tpu.vector_store %arg11[%swap3A_339, %swap3A_340], %get3A_337 {strides = array<i32>} : memref<8x1024xf32, #tpu.memory_space<vmem>>, vector<16xf32>,
      %get3A_342 = arith.index_cast %add3A_288 : i32 to index
      %get3A_343 = arith.constant 64 : index
      %get3A_344 = tpu.vector_load %arg7[%get3A_342, %get3A_343] {strides = array<i32>} : memref<200x128xf32, #tpu.memory_space<vmem>>, vector<16xf32>,
      %swap3A_345 = arith.constant 7 : i32
      %swap3A_346 = arith.index_cast %swap3A_345 : i32 to index
      %swap3A_347 = arith.constant 960 : index
      %swap3A_348 = tpu.vector_load %arg11[%swap3A_346, %swap3A_347] {strides = array<i32>} : memref<8x1024xf32, #tpu.memory_space<vmem>>, vector<16xf32>,
      tpu.vector_store %arg11[%swap3A_346, %swap3A_347], %get3A_344 {strides = array<i32>} : memref<8x1024xf32, #tpu.memory_space<vmem>>, vector<16xf32>,
      %get3A_349 = arith.index_cast %add3A_288 : i32 to index
      %get3A_350 = arith.constant 80 : index
      %get3A_351 = tpu.vector_load %arg7[%get3A_349, %get3A_350] {strides = array<i32>} : memref<200x128xf32, #tpu.memory_space<vmem>>, vector<16xf32>,
      %swap3A_352 = arith.constant 7 : i32
      %swap3A_353 = arith.index_cast %swap3A_352 : i32 to index
      %swap3A_354 = arith.constant 976 : index
      %swap3A_355 = tpu.vector_load %arg11[%swap3A_353, %swap3A_354] {strides = array<i32>} : memref<8x1024xf32, #tpu.memory_space<vmem>>, vector<16xf32>,
      tpu.vector_store %arg11[%swap3A_353, %swap3A_354], %get3A_351 {strides = array<i32>} : memref<8x1024xf32, #tpu.memory_space<vmem>>, vector<16xf32>,
      %get3A_356 = arith.index_cast %add3A_288 : i32 to index
      %get3A_357 = arith.constant 96 : index
      %get3A_358 = tpu.vector_load %arg7[%get3A_356, %get3A_357] {strides = array<i32>} : memref<200x128xf32, #tpu.memory_space<vmem>>, vector<16xf32>,
      %swap3A_359 = arith.constant 7 : i32
      %swap3A_360 = arith.index_cast %swap3A_359 : i32 to index
      %swap3A_361 = arith.constant 992 : index
      %swap3A_362 = tpu.vector_load %arg11[%swap3A_360, %swap3A_361] {strides = array<i32>} : memref<8x1024xf32, #tpu.memory_space<vmem>>, vector<16xf32>,
      tpu.vector_store %arg11[%swap3A_360, %swap3A_361], %get3A_358 {strides = array<i32>} : memref<8x1024xf32, #tpu.memory_space<vmem>>, vector<16xf32>,
      %get3A_363 = arith.index_cast %add3A_288 : i32 to index
      %get3A_364 = arith.constant 112 : index
      %get3A_365 = tpu.vector_load %arg7[%get3A_363, %get3A_364] {strides = array<i32>} : memref<200x128xf32, #tpu.memory_space<vmem>>, vector<16xf32>,
      %swap3A_366 = arith.constant 7 : i32
      %swap3A_367 = arith.index_cast %swap3A_366 : i32 to index
      %swap3A_368 = arith.constant 1008 : index
      %swap3A_369 = tpu.vector_load %arg11[%swap3A_367, %swap3A_368] {strides = array<i32>} : memref<8x1024xf32, #tpu.memory_space<vmem>>, vector<16xf32>,
      tpu.vector_store %arg11[%swap3A_367, %swap3A_368], %get3A_365 {strides = array<i32>} : memref<8x1024xf32, #tpu.memory_space<vmem>>, vector<16xf32>,
      %dma_start3A_370 = arith.constant 0 : i32
      %dma_start3A_371 = arith.constant 0 : i32
      %dma_start3A_372 = tpu.memref_slice %arg5[%add3A_288, %dma_start3A_370, %add3A, %dma_start3A_371] : memref<200x8x32x1024xf32, #tpu.memory_space<hbm>> -> memref<1x8x1x1024xf32, #tpu.memory_space<hbm>>
      %dma_start3A_373 = tpu.memref_squeeze %dma_start3A_372 : memref<1x8x1x1024xf32, #tpu.memory_space<hbm>> -> memref<8x1024xf32, #tpu.memory_space<hbm>>
      %dma_start3A_374 = arith.constant 0 : i32
      %dma_start3A_375 = arith.constant 0 : i32
      %dma_start3A_376 = tpu.memref_slice %arg5[%add3A_288, %dma_start3A_374, %add3A, %dma_start3A_375] : memref<200x8x32x1024xf32, #tpu.memory_space<hbm>> -> memref<1x8x1x1024xf32, #tpu.memory_space<hbm>>
      %dma_start3A_377 = tpu.memref_squeeze %dma_start3A_376 : memref<1x8x1x1024xf32, #tpu.memory_space<hbm>> -> memref<8x1024xf32, #tpu.memory_space<hbm>>
      tpu.enqueue_dma source(%arg11 : memref<8x1024xf32, #tpu.memory_space<vmem>>) target(%dma_start3A_377 : memref<8x1024xf32, #tpu.memory_space<hbm>>) target_semaphore(%arg15 : memref<!tpu.dma_semaphore, #tpu.memory_space<semaphore_mem>>)
      %scan3A_378 = arith.constant 0 : i32
      scf.yield %scan3A_378 : i32
    }
    %scan3A_177 = arith.constant 100 : i32
    %dma_wait3A = arith.constant 0 : i32
    %dma_wait3A_178 = arith.constant 0 : i32
    %dma_wait3A_179 = arith.constant 0 : i32
    %dma_wait3A_180 = arith.constant 0 : i32
    %dma_wait3A_181 = tpu.memref_slice %arg5[%dma_wait3A, %dma_wait3A_179, %dma_wait3A_178, %dma_wait3A_180] : memref<200x8x32x1024xf32, #tpu.memory_space<hbm>> -> memref<1x8x1x1024xf32, #tpu.memory_space<hbm>>
    %dma_wait3A_182 = tpu.memref_squeeze %dma_wait3A_181 : memref<1x8x1x1024xf32, #tpu.memory_space<hbm>> -> memref<8x1024xf32, #tpu.memory_space<hbm>>
    %dma_wait3A_183 = arith.constant 0 : i32
    %dma_wait3A_184 = arith.constant 0 : i32
    %dma_wait3A_185 = tpu.memref_slice %arg5[%dma_wait3A, %dma_wait3A_183, %dma_wait3A_178, %dma_wait3A_184] : memref<200x8x32x1024xf32, #tpu.memory_space<hbm>> -> memref<1x8x1x1024xf32, #tpu.memory_space<hbm>>
    %dma_wait3A_186 = tpu.memref_squeeze %dma_wait3A_185 : memref<1x8x1x1024xf32, #tpu.memory_space<hbm>> -> memref<8x1024xf32, #tpu.memory_space<hbm>>
    tpu.wait_dma2 semaphore(%arg14 : memref<!tpu.dma_semaphore, #tpu.memory_space<semaphore_mem>>) src(%arg10 : memref<8x1024xf32, #tpu.memory_space<vmem>>) dst(%dma_wait3A_186 : memref<8x1024xf32, #tpu.memory_space<hbm>>)
    %dma_wait3A_187 = arith.constant 0 : i32
    %dma_wait3A_188 = arith.constant 0 : i32
    %dma_wait3A_189 = arith.constant 0 : i32
    %dma_wait3A_190 = arith.constant 0 : i32
    %dma_wait3A_191 = tpu.memref_slice %arg5[%dma_wait3A_187, %dma_wait3A_189, %dma_wait3A_188, %dma_wait3A_190] : memref<200x8x32x1024xf32, #tpu.memory_space<hbm>> -> memref<1x8x1x1024xf32, #tpu.memory_space<hbm>>
    %dma_wait3A_192 = tpu.memref_squeeze %dma_wait3A_191 : memref<1x8x1x1024xf32, #tpu.memory_space<hbm>> -> memref<8x1024xf32, #tpu.memory_space<hbm>>
    %dma_wait3A_193 = arith.constant 0 : i32
    %dma_wait3A_194 = arith.constant 0 : i32
    %dma_wait3A_195 = tpu.memref_slice %arg5[%dma_wait3A_187, %dma_wait3A_193, %dma_wait3A_188, %dma_wait3A_194] : memref<200x8x32x1024xf32, #tpu.memory_space<hbm>> -> memref<1x8x1x1024xf32, #tpu.memory_space<hbm>>
    %dma_wait3A_196 = tpu.memref_squeeze %dma_wait3A_195 : memref<1x8x1x1024xf32, #tpu.memory_space<hbm>> -> memref<8x1024xf32, #tpu.memory_space<hbm>>
    tpu.wait_dma2 semaphore(%arg15 : memref<!tpu.dma_semaphore, #tpu.memory_space<semaphore_mem>>) src(%arg11 : memref<8x1024xf32, #tpu.memory_space<vmem>>) dst(%dma_wait3A_196 : memref<8x1024xf32, #tpu.memory_space<hbm>>)
    return
  }
}

</mosaic_0001>

<sc_bundles>
// kernel: kernel.3.cloned.1.call-start
scs
__scs_entry_jumppad:
0x0: {  	(pc) =	sbr.rel $0x88, $3  }
0x1: {  	(tag) =	ssettag $0x0;
	lr =	simm.s32 $0x1  }
0x2: {  	[smem:$0x3F9F] =	sst lr;
	_ =	strace $0xD0000000  }
0x3: {  	_ = 	snop  }
0x4: {  	_ = 	snop  }
0x5: {  	_ = 	snop  }
0x6: {  	_ = 	snop  }
0x7: {  	_ = 	snop  }
__scs_overlays_trampoline_lowered:
0x8: {  	[smem:$0x3FAE] =	sst s0  }
0x9: {  	[smem:$0x3FAF] =	sst s1  }
0xa: {  	[smem:$0x3FB0] =	sst s2  }
0xb: {  	[smem:$0x3FB1] =	sst s3  }
0xc: {  	[smem:$0x3FB2] =	sst s4  }
0xd: {  	[smem:$0x3FB3] =	sst s5  }
0xe: {  	[smem:$0x3FB4] =	sst s6  }
0xf: {  	[smem:$0x3FB5] =	sst s7  }
0x10: {  	[smem:$0x3FB6] =	sst s8  }
0x11: {  	[smem:$0x3FB7] =	sst s9;
	s0 =	simm.s32 @!p0 $0x0  }
0x12: {  	s1 =	sld [smem:$0x3F9D];
	s0 =	simm.s32 @p0 $0x1  }
0x13: {  	[smem:$0x3FB8] =	sst s0;
	s0 =	simm.s32 @!p1 $0x0  }
0x14: {  	s2 =	sld [smem:$0x3F9C];
	s0 =	simm.s32 @p1 $0x1  }
0x15: {  	[smem:$0x3FB9] =	sst s0;
	s0 =	simm.s32 @!p2 $0x0  }
0x16: {  	s3 =	sld [smem:$0x3FDB];
	s0 =	simm.s32 @p2 $0x1  }
0x17: {  	s4 =	simm.s32 $0x1BF5;
	[smem:$0x3FBB] =	sst s0  }
0x18: {  	s0 =	sld [smem:$0x3F9E];
	_ =	swait.ge [sflag:s4], $0x0  }
0x19: {  	s7 =	sld [smem:$0x3F9F]  }
0x1a: {  	s8 =	sadd.s32 $0xFFFFE003, lr  }
0x1b: {  	s9 =	sadd.s32 $0xFFFFFEF7, lr;
	s5 =	simm.s32 $0xFFFFFFFF;
	p2 =	slt.u32 s8, $0xFFFFF086  }
0x1c: {  	p1 =	slt.u32 s9, $0xF7A;
	s5 =	simm.s32 @!p2 $0x0  }
0x1d: {  	s5 =	simm.s32 @p1 $0x1;
	p0 =	seq.s32 s7, s2  }
0x1e: {  	s7 =	smul.u32 @!p0 $0xF7A, s2;
	p2 =	seq.s32 @!p0 s5, $0x0  }
0x1f: {  	s9 =	smul.u32 $0xF7A, s1;
	s8 =	simm.s32 @!p0 $0x1BF5;
	p2 =	por !p2, p0  }
0x20: {  	[sflag:s8] =	ssyncset.s32 @!p0 $0xFFFFF086;
	s6 =	sadd.s32 @!p0 s3, s7;
	s7 =	simm.s32 @!p0 $0x108  }
0x21: {  	s3 =	sadd.s32 s3, s9;
	s6 =	sadd.s32 @!p0 $0x88, s6;
	s7 =	simm.s32 @p2 $0x1082  }
0x22: {  	[simem:s7], [sflag:s8] =	dma.local @!p0 [hbm:s6], $0xF7A  }
0x23: {  	s9 =	sor.u32 $0xD0000000, s2;
	s6 =	simm.s32 $0x108;
	_ =	swait.ge @!p0 [sflag:s8], $0x0  }
0x24: {  	s3 =	sadd.s32 $0x88, s3;
	s6 =	simm.s32 @!p1 $0x1082;
	[sflag:s4] =	ssyncset.s32 $0xFFFFF086  }
0x25: {  	[simem:s6], [sflag:s4] =	dma.local [hbm:s3], $0xF7A  }
0x26: {  	[smem:$0x3F9F] =	sst s1;
	(tag) =	ssettag s2;
	_ =	strace s9  }
0x27: {  	s1 =	sld [smem:$0x3FAF]  }
0x28: {  	s2 =	sld [smem:$0x3FB0]  }
0x29: {  	s4 =	sld [smem:$0x3FB2]  }
0x2a: {  	p0 =	seq.s32 s5, $0x0;
	s5 =	sld [smem:$0x3FB3]  }
0x2b: {  	s6 =	sld [smem:$0x3FB4]  }
0x2c: {  	s7 =	sld [smem:$0x3FB5]  }
0x2d: {  	s3 =	simm.s32 $0x108;
	s8 =	sld [smem:$0x3FB6]  }
0x2e: {  	s3 =	simm.s32 @!p0 $0x1082;
	s9 =	sld [smem:$0x3FB7]  }
0x2f: {  	lr =	sadd.s32 s0, s3;
	s0 =	sld [smem:$0x3FAE]  }
0x30: {  	s3 =	sld [smem:$0x3FB1]  }
0x31: {  	[smem:$0x3FBA] =	sst s10  }
0x32: {  	s10 =	sld [smem:$0x3FB8];
	_ =	sdelay $0x3  }
0x33: {  	p0 =	seq.s32 s10, $0x1;
	s10 =	sld [smem:$0x3FBA];
	_ =	sdelay $0x3  }
0x34: {  	[smem:$0x3FBA] =	sst s10  }
0x35: {  	s10 =	sld [smem:$0x3FB9];
	_ =	sdelay $0x3  }
0x36: {  	p1 =	seq.s32 s10, $0x1;
	s10 =	sld [smem:$0x3FBA];
	_ =	sdelay $0x3  }
0x37: {  	[smem:$0x3FBA] =	sst s10  }
0x38: {  	s10 =	sld [smem:$0x3FBB]  }
0x39: {  	_ = 	snop;
	(pc) =	sbr.ind lr, $3  }
0x3a: {  	_ = 	snop  }
0x3b: {  	_ = 	snop  }
0x3c: {  	p2 =	seq.s32 s10, $0x1;
	s10 =	sld [smem:$0x3FBA]  }
0x3d: {  	_ =	shalt  }
0x3e: {  	_ =	shalt  }
0x3f: {  	_ =	shalt  }
0x40: {  	_ =	shalt  }
0x41: {  	_ =	shalt  }
0x42: {  	_ =	shalt  }
0x43: {  	_ =	shalt  }
0x44: {  	_ =	shalt  }
0x45: {  	_ =	shalt  }
0x46: {  	_ =	shalt  }
0x47: {  	_ =	shalt  }
0x48: {  	_ =	shalt  }
0x49: {  	_ =	shalt  }
0x4a: {  	_ =	shalt  }
0x4b: {  	_ =	shalt  }
0x4c: {  	_ =	shalt  }
0x4d: {  	_ =	shalt  }
0x4e: {  	_ =	shalt  }
0x4f: {  	_ =	shalt  }
0x50: {  	_ =	shalt  }
0x51: {  	_ =	shalt  }
0x52: {  	_ =	shalt  }
0x53: {  	_ =	shalt  }
0x54: {  	_ =	shalt  }
0x55: {  	_ =	shalt  }
0x56: {  	_ =	shalt  }
0x57: {  	_ =	shalt  }
0x58: {  	_ =	shalt  }
0x59: {  	_ =	shalt  }
0x5a: {  	_ =	shalt  }
0x5b: {  	_ =	shalt  }
0x5c: {  	_ =	shalt  }
0x5d: {  	_ =	shalt  }
0x5e: {  	_ =	shalt  }
0x5f: {  	_ =	shalt  }
0x60: {  	_ =	shalt  }
0x61: {  	_ =	shalt  }
0x62: {  	_ =	shalt  }
0x63: {  	_ =	shalt  }
0x64: {  	_ =	shalt  }
0x65: {  	_ =	shalt  }
0x66: {  	_ =	shalt  }
0x67: {  	_ =	shalt  }
0x68: {  	_ =	shalt  }
0x69: {  	_ =	shalt  }
0x6a: {  	_ =	shalt  }
0x6b: {  	_ =	shalt  }
0x6c: {  	_ =	shalt  }
0x6d: {  	_ =	shalt  }
0x6e: {  	_ =	shalt  }
0x6f: {  	_ =	shalt  }
0x70: {  	_ =	shalt  }
0x71: {  	_ =	shalt  }
0x72: {  	_ =	shalt  }
0x73: {  	_ =	shalt  }
0x74: {  	_ =	shalt  }
0x75: {  	_ =	shalt  }
0x76: {  	_ =	shalt  }
0x77: {  	_ =	shalt  }
0x78: {  	_ =	shalt  }
0x79: {  	_ =	shalt  }
0x7a: {  	_ =	shalt  }
0x7b: {  	_ =	shalt  }
0x7c: {  	_ =	shalt  }
0x7d: {  	_ =	shalt  }
0x7e: {  	_ =	shalt  }
0x7f: {  	_ =	shalt  }
0x80: {  	_ =	shalt  }
0x81: {  	_ =	shalt  }
0x82: {  	_ =	shalt  }
0x83: {  	_ =	shalt  }
0x84: {  	_ =	shalt  }
0x85: {  	_ =	shalt  }
0x86: {  	_ =	shalt  }
0x87: {  	_ =	shalt  }
.Lfunc_end0:
.L_simem_size_0:
called_computation_lowered:
.L_overlay_start_0:
0x88: {  	s2 =	sld [smem:$0x3FD9]  }
0x89: {  	s3 =	sld [smem:$0x3FFE];
	_ =	sdelay $0x1  }
0x8a: {  	s1 =	srdreg.scid  }
0x8b: {  	s0 =	sand.u32 $0x1, s1  }
0x8c: {  	s17 =	sshll.u32 s0, $0xA;
	s2 =	sadd.s32 s3, s2  }
0x8d: {  	s2 =	sadd.s32 s2, s17  }
0x8e: {  	[smem:$0x3FC6] =	sst s2  }
0x8f: {  	_ = 	snop  }
0x90: {  	s2 =	sld [smem:$0x3FD0];
	(tm) =	ssettm $0x1  }
0x91: {  	s18 =	sld [smem:$0x3FFB];
	_ =	sdelay $0x3  }
0x92: {  	_ =	strace s18  }
0x93: {  	s3 =	sld [smem:$0x3FFC];
	_ =	sdelay $0x3  }
0x94: {  	_ =	strace s3  }
0x95: {  	s3 =	sld [smem:$0x3FFD];
	_ =	sdelay $0x3  }
0x96: {  	_ =	strace s3  }
0x97: {  	_ =	strace $0x8FFFFFFF  }
0x98: {  	s19 =	sld [smem:$0x3FDB];
	_ =	sdelay $0x1  }
0x99: {  	s4 =	simm.s32 $_scs_section_size  }
0x9a: {  	s5 =	simm.s32 $_size__tile_overlayer_lowered;
	s6 =	simm.s32 $_tile_overlayer_lowered  }
0x9b: {  	s22 =	simm.s32 $0x1BFF;
	s21 =	sshll.u32 s6, $0x1;
	s3 =	sadd.s32 s4, s19  }
0x9c: {  	s7 =	simm.s32 $0x0;
	s20 =	sshll.u32 s5, $0x1;
	s5 =	sadd.s32 s21, s3  }
0x9d: {  	[timem:s7], [sflag:s22] =	dma.local [hbm:s5], s20  }
0x9e: {  	_ =	swait.ge [sflag:s22], s20  }
0x9f: {  	s4 =	ssub.s32 $0x0, s20;
	[sflag:s22] =	ssyncset.done $0x0  }
0xa0: {  	[sflag:s22] =	ssyncadd.s32 s4;
	_ =	sdelay $0x1  }
0xa1: {  	s23 =	simm.s32 $0x1B8B  }
0xa2: {  	_ =	swait.ge [sflag:s23], $0x1  }
0xa3: {  	[sflag:s23] =	ssyncset.done $0x0  }
0xa4: {  	s25 =	simm.s32 $0x1B8E;
	s24 =	sld [smem:$0x3FFE];
	[sflag:s23] =	ssyncadd.s32 $0xFFFFFFFF  }
0xa5: {  	s26 =	simm.s32 $execute0_lowered;
	[smem:$0x3FD2] =	sst s25  }
0xa6: {  	s5 =	sshll.u32 s26, $0x1;
	_ =	strace $0x80000046;
	[dreg:$0x1] =	wrdreg $0xFFFFFFFF  }
0xa7: {  	s28 =	simm.s32 $_size_execute0_lowered;
	s3 =	sadd.s32 s3, s5;
	[dreg:$0x0] =	wrdreg $0x0  }
0xa8: {  	s5 =	sshll.u32 s28, $0x1;
	[dreg:$0x2] =	wrdreg s3  }
0xa9: {  	[dreg:$0x3] =	wrdreg s5  }
0xaa: {  	[dreg:$0x4] =	wrdreg $0xC0  }
0xab: {  	_ =	task [dreg:s7], $0x5FFFF  }
0xac: {  	[dreg:$0x1] =	wrdreg $0xFFFFFFFF  }
0xad: {  	[dreg:$0x0] =	wrdreg $0x60  }
0xae: {  	[dreg:$0x2] =	wrdreg s24  }
0xaf: {  	[dreg:$0x3] =	wrdreg s2  }
0xb0: {  	[dreg:$0x4] =	wrdreg $0x9  }
0xb1: {  	_ =	task.clear_ibuf [dreg:s7], $0x5FFFF;
	_ =	strace $0x90000046  }
0xb2: {  	s29 =	simm.s32 $0x9;
	_ =	strace $0x80000048  }
0xb3: {  	_ =	swait.ge [sflag:s29], $0x1  }
0xb4: {  	[sflag:s29] =	ssyncadd.s32 $0xFFFFFFFF  }
0xb5: {  	_ =	strace $0x90000048  }
0xb6: {  	_ =	sfence  }
0xb7: {  	s30 =	sld [smem:$0x0];
	_ =	sdelay $0x2  }
0xb8: {  	s31 =	sshll.u32 s1, $0xD;
	s1 =	sshrl.u32 s1, $0x2  }
0xb9: {  	s3 =	sand.u32 $0x4000, s31;
	s1 =	sadd.s32 s1, s30  }
0xba: {  	s0 =	sor.u32 s3, s0;
	s1 =	sshll.u32 s1, $0x11  }
0xbb: {  	s0 =	sor.u32 s1, s0  }
0xbc: {  	s0 =	sadd.s32 $0x8F2B, s0  }
0xbd: {  	[sflag:s0] =	ssyncadd.remote.s32 $0x1  }
0xbe: {  	_ =	sfence.sel $0xFFFF  }
0xbf: {  	[dreg:$0x0] =	wrdreg $0xFFFFFFFF;
	(pc) =	sbr.abs _section_cstart, $3  }
0xc0: {  	[dreg:$0x1] =	wrdreg $0xFFFFFFFF  }
0xc1: {  	_ =	task.clear_ibuf [dreg:s7], $0x2FFFF;
	_ =	strace $0x9FFFFFFF  }
0xc2: {  	(tm) =	ssettm $0x7FFFFFFF  }
0xc3: {  	_ =	shalt  }
tec
execute0_lowered:
.L_overlay_start_1:
0x0: {  	(tag) =	ssettag $0x1  }
0x1: {  	v0 =	vimm.s32 $0x38F;
	vm14 =	vcmask $0x300;
	vm13 =	vcmask $0x704  }
0x2: {  	vm12 =	vcmask $0xB08;
	vm11 =	vcmask $0xF0C;
	v0 =	vsel vm14, $0x0, v0  }
0x3: {  	vm10 =	vcmask $0x1310;
	vm9 =	vcmask $0x1714;
	v0 =	vsel vm13, $0x81, v0  }
0x4: {  	vm4 =	vcmask $0x1B18;
	vm5 =	vcmask $0x1F1C;
	v0 =	vsel vm12, $0x102, v0  }
0x5: {  	vm6 =	vcmask $0x2320;
	vm7 =	vcmask $0x2724;
	v0 =	vsel vm11, $0x183, v0  }
0x6: {  	vm8 =	vcmask $0x2B28;
	vm3 =	vcmask $0x2F2C;
	v0 =	vsel vm10, $0x204, v0  }
0x7: {  	vm2 =	vcmask $0x3330;
	vm1 =	vcmask $0x3734;
	v1 =	vsel vm9, $0x285, v0  }
0x8: {  	vm0 =	vcmask $0x3B38;
	v0 =	vlaneseq.u32;
	v2 =	vsel vm4, $0x306, v1  }
0x9: {  	v11 =	vimm.s32 $0x3AF;
	v1 =	vor.u32 $0x400, v0;
	v3 =	vsel vm5, $0x387, v2  }
0xa: {  	v12 =	vimm.s32 $0x3CF;
	[tilespmem:$0x1FE00] =	vst v1;
	v1 =	vor.u32 $0x800, v0;
	v4 =	vsel vm6, $0x8, v3  }
0xb: {  	v0 =	vor.u32 $0xC00, v0;
	[tilespmem:$0x1FE10] =	vst v1;
	v5 =	vsel vm7, $0x89, v4;
	v4 =	vlaneseq.u32  }
0xc: {  	v13 =	vimm.s32 $0x3EF;
	v11 =	vsel vm14, $0x20, v11;
	[tilespmem:$0x1FE20] =	vst v0;
	v0 =	vor.u32 $0x1000, v4  }
0xd: {  	v12 =	vsel vm14, $0x40, v12;
	v13 =	vsel vm14, $0x60, v13;
	[tilespmem:$0x1FE30] =	vst v0;
	v0 =	vor.u32 $0x1400, v4  }
0xe: {  	s4 =	rddreg [dreg:$0x0];
	v11 =	vsel vm13, $0xA1, v11;
	v12 =	vsel vm13, $0xC1, v12;
	[tilespmem:$0x1FE40] =	vst v0;
	v0 =	vor.u32 $0x1800, v4  }
0xf: {  	s2 =	rddreg [dreg:$0x1];
	s3 =	simm.s32 $0x0;
	v13 =	vsel vm13, $0xE1, v13;
	v11 =	vsel vm12, $0x122, v11;
	[tilespmem:$0x1FE50] =	vst v0;
	v0 =	vor.u32 $0x1C00, v4  }
0x10: {  	s1 =	srdreg.scid;
	[smem:$0x7FF] =	sst s3;
	v12 =	vsel vm12, $0x142, v12;
	v13 =	vsel vm12, $0x162, v13;
	v17 =	vor.u32 $0x430, v4;
	[tilespmem:$0x1FE60] =	vst v0  }
0x11: {  	s5 =	sand.u32 $0x1, s1;
	s1 =	rddreg [dreg:$0x2];
	v11 =	vsel vm11, $0x1A3, v11;
	v6 =	vsel vm8, $0x10A, v5;
	v18 =	vor.u32 $0x830, v4;
	_ =	strace $0x80000047;
	[tilespmem:$0x1FE70] =	vst v17  }
0x12: {  	v10 =	vshrl.u32 v4, $0x3;
	v7 =	vsel vm3, $0x18B, v6;
	v6 =	vor.u32 $0xC30, v4;
	[tilespmem:$0x1FE80] =	vst v18  }
0x13: {  	v12 =	vsel vm11, $0x1C3, v12;
	v19 =	vor.u32 $0x30, v4;
	v2 =	vmul.u32 $0x400, v10;
	[tilespmem:$0x1FE90] =	vst v6  }
0x14: {  	v13 =	vsel vm11, $0x1E3, v13;
	v11 =	vsel vm10, $0x224, v11;
	v0 =	vor.u32 $0x1830, v4;
	[tilespmem:$0x1FEA0] =	vst v19  }
0x15: {  	v12 =	vsel vm10, $0x244, v12;
	v13 =	vsel vm10, $0x264, v13;
	v24 =	vor.u32 $0x1800, v2;
	[tilespmem:$0x1FEB0] =	vst v0  }
0x16: {  	v11 =	vsel vm9, $0x2A5, v11;
	v12 =	vsel vm9, $0x2C5, v12;
	v23 =	vor.u32 $0x1C30, v4;
	[tilespmem:$0x1FEC0] =	vst v24  }
0x17: {  	v13 =	vsel vm9, $0x2E5, v13;
	v11 =	vsel vm4, $0x326, v11;
	v43 =	vor.u32 $0x1000, v2;
	[tilespmem:$0x1FED0] =	vst v23  }
0x18: {  	v12 =	vsel vm4, $0x346, v12;
	v13 =	vsel vm4, $0x366, v13;
	v10 =	vor.u32 $0x1820, v4;
	[tilespmem:$0x1FEE0] =	vst v43  }
0x19: {  	v11 =	vsel vm5, $0x3A7, v11;
	v12 =	vsel vm5, $0x3C7, v12;
	v42 =	vor.u32 $0x1C20, v4;
	[tilespmem:$0x1FEF0] =	vst v10  }
0x1a: {  	v13 =	vsel vm5, $0x3E7, v13;
	v11 =	vsel vm6, $0x28, v11;
	v40 =	vor.u32 $0x1420, v4;
	[tilespmem:$0x1FF00] =	vst v42  }
0x1b: {  	v12 =	vsel vm6, $0x48, v12;
	v13 =	vsel vm6, $0x68, v13;
	v39 =	vor.u32 $0x1020, v4;
	[tilespmem:$0x1FF10] =	vst v40  }
0x1c: {  	v11 =	vsel vm7, $0xA9, v11;
	v12 =	vsel vm7, $0xC9, v12;
	v38 =	vor.u32 $0xC20, v4;
	[tilespmem:$0x1FF20] =	vst v39  }
0x1d: {  	v13 =	vsel vm7, $0xE9, v13;
	v9 =	vand.u32 $0x7, v4;
	v35 =	vor.u32 $0x20, v4;
	[tilespmem:$0x1FF30] =	vst v38  }
0x1e: {  	v36 =	vor.u32 $0x420, v4;
	v16 =	vmul.u32 $0x80, v9;
	v8 =	vsel vm2, $0x20C, v7;
	[tilespmem:$0x1FF40] =	vst v35  }
0x1f: {  	v11 =	vsel vm8, $0x12A, v11;
	v37 =	vor.u32 $0x820, v4;
	v8 =	vsel vm1, $0x28D, v8;
	[tilespmem:$0x1FF50] =	vst v36  }
0x20: {  	s0 =	stileid.u32;
	v11 =	vsel vm3, $0x1AB, v11;
	v1 =	vsel vm0, $0x30E, v8;
	v8 =	vor.u32 $0x10, v16;
	[tilespmem:$0x1FF60] =	vst v37  }
0x21: {  	s9 =	simm.s32 $0x80;
	s10 =	simm.s32 $0x1000;
	s12 =	simm.s32 $0x6400;
	v12 =	vsel vm8, $0x14A, v12;
	v13 =	vsel vm8, $0x16A, v13;
	v11 =	vsel vm2, $0x22C, v11;
	[tilespmem:$0x1FF70] =	vst v8  }
0x22: {  	s11 =	simm.s32 $0x5;
	s13 =	simm.s32 $0xC800;
	s14 =	simm.s32 $0xE800;
	v26 =	vor.u32 $0x10, v4;
	v12 =	vsel vm3, $0x1CB, v12;
	v11 =	vsel vm1, $0x2AD, v11;
	[tilespmem:$0x1FF80] =	vst v1  }
0x23: {  	s15 =	simm.s32 $0x1;
	s16 =	simm.s32 $0x10800;
	s17 =	simm.s32 $0x400;
	v27 =	vor.u32 $0x410, v4;
	v12 =	vsel vm2, $0x24C, v12;
	v3 =	vsel vm0, $0x32E, v11;
	[tilespmem:$0x1FF90] =	vst v2  }
0x24: {  	s18 =	simm.s32 $0x8000;
	s19 =	simm.s32 $0x2;
	s20 =	simm.s32 $0x12800;
	v13 =	vsel vm3, $0x1EB, v13;
	v14 =	vsel vm1, $0x2CD, v12;
	v5 =	vor.u32 $0x30, v16;
	[tilespmem:$0x1FFA0] =	vst v3  }
0x25: {  	s21 =	simm.s32 $0x3;
	s22 =	simm.s32 $0x4;
	s6 =	sshll.u32 s0, $0x1;
	v28 =	vor.u32 $0x810, v4;
	v15 =	vsel vm2, $0x26C, v13;
	v12 =	vsel vm0, $0x34E, v14;
	[tilespmem:$0x1FFB0] =	vst v5  }
0x26: {  	s23 =	simm.s32 $0x0;
	s7 =	sor.u32 s5, s6;
	s5 =	ssub.s32 $0x2, s5;
	v29 =	vor.u32 $0xC10, v4;
	v15 =	vsel vm1, $0x2ED, v15;
	v20 =	vor.u32 $0x50, v16;
	[tilespmem:$0x1FFC0] =	vst v12  }
0x27: {  	s6 =	sshll.u32 s7, $0x4;
	s8 =	sshrl.u32 s5, $0x1;
	s7 =	sshll.u32 s7, $0xA;
	v30 =	vor.u32 $0x1010, v4;
	v31 =	vor.u32 $0x1410, v4;
	v21 =	vsel vm0, $0x36E, v15;
	[tilespmem:$0x1FFD0] =	vst v20  }
0x28: {  	s6 =	sadd.s32 s6, s4;
	s4 =	sadd.s32 $0x1B9400, s4;
	s8 =	ssub.s32 s5, s8;
	v32 =	vor.u32 $0x1810, v4;
	v33 =	vor.u32 $0x1C10, v4;
	v9 =	vor.u32 $0x1430, v4;
	[tilespmem:$0x1FFE0] =	vst v21  }
0x29: {  	s5 =	sadd.s32 $0xA00, s6;
	s6 =	sadd.s32 $0x19A00, s6;
	s8 =	smax.u32 s8, $0x1;
	v7 =	vor.u32 $0x1030, v4;
	v25 =	vor.u32 $0x70, v16;
	v34 =	vor.u32 $0x800, v2;
	[tilespmem:$0x1FFF0] =	vst v30  }
.LBB2_1:
0x2a: {  	[tilespmem:s3], [sflag:$0x5] =	stream.strided.gather [hbm4b:s5+s9], $0x6400, s10, s9, $0x38;
	[tilespmem:$0x14800] =	vst v63  }
0x2b: {  	_ =	swait.ge [sflag:s11], $0x6400  }
0x2c: {  	[sflag:s11] =	ssyncset.done $0x0  }
0x2d: {  	[sflag:s11] =	ssyncadd.s32 $0xFFFF9C00  }
0x2e: {  	[tilespmem:s12], [sflag:$0x5] =	stream.strided.gather [hbm4b:s6+s9], $0x6400, s10, s9, $0x38;
	[tilespmem:$0x14800] =	vst v63  }
0x2f: {  	_ =	swait.ge [sflag:s11], $0x6400  }
0x30: {  	[sflag:s11] =	ssyncset.done $0x0  }
0x31: {  	s24 =	simm.s32 $0x0;
	[sflag:s11] =	ssyncadd.s32 $0xFFFF9C00  }
0x32: {  	[tilespmem:s13], [sflag:$0x1] =	stream.indirect.gather [hbm4b:s4+s9], $0x40, s3, s9, $0xb8;
	[tilespmem:$0x14800] =	vst v63  }
.LBB2_2:
0x33: {  	p0 =	seq.s32 s24, $0x0  }
0x34: {  	s26 =	simm.s32 @!p0 $0x3  }
0x35: {  	_ =	swait.ge @!p0 [sflag:s26], $0x2000  }
0x36: {  	v11 =	vld [tilespmem:$0x1FE00];
	_ =	sdelay $0x1  }
0x37: {  	s28 =	simm.s32 $0x0  }
0x38: {  	v46 =	vadd.s32 s28, v4  }
0x39: {  	s25 =	sshll.u32 s24, $0x1;
	v44 =	vshll.u32 v46, $0x6  }
0x3a: {  	s25 =	sor.u32 $0x1, s25;
	v47 =	vor.u32 v11, v44;
	v11 =	vld [tilespmem:$0x1FE20]  }
0x3b: {  	s29 =	sshll.u32 s25, $0x9;
	[sflag:s26] =	ssyncset.done @!p0 $0x0  }
0x3c: {  	[sflag:s26] =	ssyncadd.s32 @!p0 $0xFFFFE000;
	s26 =	sshrl.u32 s29, $0x2  }
0x3d: {  	[tilespmem:s14], [sflag:$0x2] =	stream.indirect.gather [hbm4b:s4+s9], $0x40, s26, s9, $0xb8;
	[tilespmem:$0x14800] =	vst v63  }
0x3e: {  	_ =	swait.ge [sflag:s15], $0x2000  }
0x3f: {  	v48 =	vor.u32 v11, v44;
	v11 =	vld [tilespmem:$0x1FE10];
	_ =	sdelay $0x3  }
0x40: {  	v45 =	vand.u32 $0x3C0, v44  }
0x41: {  	v50 =	vor.u32 v11, v45;
	v11 =	vld [tilespmem:$0x1FE60];
	_ =	sdelay $0x4  }
0x42: {  	v51 =	vor.u32 v11, v44;
	v11 =	vld [tilespmem:$0x1FE30];
	_ =	sdelay $0x4  }
0x43: {  	v53 =	vor.u32 v11, v45;
	v11 =	vld [tilespmem:$0x1FE50];
	_ =	sdelay $0x3  }
0x44: {  	v49 =	vor.u32 v4, v45  }
0x45: {  	v55 =	vor.u32 v11, v45;
	v11 =	vld [tilespmem:$0x1FE40];
	_ =	sdelay $0x1  }
0x46: {  	[sflag:s15] =	ssyncset.done $0x0  }
0x47: {  	v56 =	vadd.s32 s28, v1;
	[sflag:s15] =	ssyncadd.s32 $0xFFFFE000  }
0x48: {  	v60 =	vadd.s32 s28, v3;
	v13 =	vand.u32 $0x7, v46;
	v54 =	vor.u32 v8, v46;
	v52 =	vld.idx.msk [tilespmem:v49+s13+$0x0], $0xffff  }
0x49: {  	v58 =	vor.u32 v2, v13;
	v22 =	vld.idx.msk [tilespmem:v47+s13+$0x0], $0xffff;
	v57 =	vor.u32 v11, v44;
	v11 =	vand.u32 $0x388, v56  }
0x4a: {  	v61 =	vor.u32 v5, v46;
	v14 =	vand.u32 $0x398, v54;
	v41 =	vld.idx.msk [tilespmem:v48+s13+$0x0], $0xffff;
	v56 =	vor.u32 v11, v58  }
0x4b: {  	v15 =	vand.u32 $0x3A8, v60;
	v63 =	vor.u32 v20, v46;
	v62 =	vor.u32 v14, v58;
	v50 =	vld.idx.msk [tilespmem:v50+s13+$0x0], $0xffff  }
0x4c: {  	v16 =	vand.u32 $0x3B8, v61;
	v61 =	vadd.s32 s28, v12;
	v60 =	vor.u32 v15, v58;
	v59 =	vld.idx.msk [tilespmem:v51+s13+$0x0], $0xffff  }
0x4d: {  	v46 =	vor.u32 v25, v46;
	v12 =	vand.u32 $0x3C8, v61;
	v49 =	vor.u32 v16, v58;
	v53 =	vld.idx.msk [tilespmem:v53+s13+$0x0], $0xffff  }
0x4e: {  	v63 =	vand.u32 $0x3D8, v63;
	v61 =	vadd.s32 s28, v21;
	v47 =	vld.idx.msk [tilespmem:v57+s13+$0x0], $0xffff;
	v57 =	vor.u32 v12, v58  }
0x4f: {  	v61 =	vand.u32 $0x3E8, v61;
	v55 =	vld.idx.msk [tilespmem:v55+s13+$0x0], $0xffff;
	[tilespmem:v56+s16+$0x0] =	vst.idx.msk $0xffff, v52;
	v52 =	vor.u32 v63, v58  }
0x50: {  	v51 =	vand.u32 $0x3F8, v46;
	v56 =	vor.u32 v61, v58;
	[tilespmem:v62+s16+$0x0] =	vst.idx.msk $0xffff, v22  }
0x51: {  	v62 =	vor.u32 v51, v58;
	[tilespmem:v60+s16+$0x0] =	vst.idx.msk $0xffff, v50  }
0x52: {  	[tilespmem:v49+s16+$0x0] =	vst.idx.msk $0xffff, v41;
	v41 =	vor.u32 v28, v45  }
0x53: {  	[tilespmem:v57+s16+$0x0] =	vst.idx.msk $0xffff, v53  }
0x54: {  	v58 =	vor.u32 v27, v44;
	[tilespmem:v52+s16+$0x0] =	vst.idx.msk $0xffff, v47  }
0x55: {  	v47 =	vor.u32 v26, v45;
	[tilespmem:v56+s16+$0x0] =	vst.idx.msk $0xffff, v55  }
0x56: {  	v60 =	vor.u32 v29, v44;
	[tilespmem:v62+s16+$0x0] =	vst.idx.msk $0xffff, v59  }
0x57: {  	v49 =	vld.idx.msk [tilespmem:v41+s13+$0x0], $0xffff;
	v41 =	vor.u32 v31, v44  }
0x58: {  	v46 =	vor.u32 v32, v45  }
0x59: {  	v62 =	vor.u32 v30, v45;
	v53 =	vld.idx.msk [tilespmem:v58+s13+$0x0], $0xffff;
	v58 =	vor.u32 v34, v13  }
0x5a: {  	v57 =	vor.u32 v33, v44;
	v59 =	vor.u32 v11, v58;
	v48 =	vld.idx.msk [tilespmem:v47+s13+$0x0], $0xffff  }
0x5b: {  	v52 =	vld.idx.msk [tilespmem:v60+s13+$0x0], $0xffff;
	v60 =	vor.u32 v14, v58  }
0x5c: {  	v55 =	vld.idx.msk [tilespmem:v41+s13+$0x0], $0xffff;
	v41 =	vor.u32 v15, v58  }
0x5d: {  	v56 =	vld.idx.msk [tilespmem:v46+s13+$0x0], $0xffff;
	v46 =	vor.u32 v16, v58  }
0x5e: {  	v47 =	vor.u32 v12, v58;
	v50 =	vld.idx.msk [tilespmem:v62+s13+$0x0], $0xffff  }
0x5f: {  	v57 =	vld.idx.msk [tilespmem:v57+s13+$0x0], $0xffff;
	[tilespmem:v59+s16+$0x0] =	vst.idx.msk $0xffff, v48;
	v59 =	vor.u32 v63, v58  }
0x60: {  	[tilespmem:v60+s16+$0x0] =	vst.idx.msk $0xffff, v53;
	v60 =	vor.u32 v61, v58  }
0x61: {  	[tilespmem:v41+s16+$0x0] =	vst.idx.msk $0xffff, v49;
	v41 =	vor.u32 v51, v58  }
0x62: {  	v54 =	vor.u32 v37, v45;
	[tilespmem:v46+s16+$0x0] =	vst.idx.msk $0xffff, v52  }
0x63: {  	v58 =	vor.u32 v36, v44;
	[tilespmem:v47+s16+$0x0] =	vst.idx.msk $0xffff, v50  }
0x64: {  	[tilespmem:v59+s16+$0x0] =	vst.idx.msk $0xffff, v55;
	v59 =	vor.u32 v35, v45  }
0x65: {  	v49 =	vor.u32 v39, v45;
	[tilespmem:v60+s16+$0x0] =	vst.idx.msk $0xffff, v56  }
0x66: {  	v50 =	vor.u32 v38, v44;
	[tilespmem:v41+s16+$0x0] =	vst.idx.msk $0xffff, v57  }
0x67: {  	v60 =	vor.u32 v40, v44;
	v46 =	vld.idx.msk [tilespmem:v54+s13+$0x0], $0xffff  }
0x68: {  	v56 =	vor.u32 v43, v13;
	v41 =	vor.u32 v10, v45;
	v47 =	vld.idx.msk [tilespmem:v58+s13+$0x0], $0xffff  }
0x69: {  	v62 =	vor.u32 v42, v44;
	v57 =	vor.u32 v11, v56;
	v48 =	vld.idx.msk [tilespmem:v59+s13+$0x0], $0xffff  }
0x6a: {  	v49 =	vld.idx.msk [tilespmem:v49+s13+$0x0], $0xffff;
	v58 =	vor.u32 v14, v56  }
0x6b: {  	v50 =	vld.idx.msk [tilespmem:v50+s13+$0x0], $0xffff;
	v59 =	vor.u32 v15, v56  }
0x6c: {  	v52 =	vld.idx.msk [tilespmem:v60+s13+$0x0], $0xffff;
	v60 =	vor.u32 v16, v56  }
0x6d: {  	v55 =	vld.idx.msk [tilespmem:v41+s13+$0x0], $0xffff;
	v41 =	vor.u32 v12, v56  }
0x6e: {  	v53 =	vld.idx.msk [tilespmem:v62+s13+$0x0], $0xffff;
	v54 =	vor.u32 v63, v56;
	[tilespmem:v57+s16+$0x0] =	vst.idx.msk $0xffff, v48  }
0x6f: {  	v57 =	vor.u32 v61, v56;
	[tilespmem:v58+s16+$0x0] =	vst.idx.msk $0xffff, v47  }
0x70: {  	v58 =	vor.u32 v51, v56;
	[tilespmem:v59+s16+$0x0] =	vst.idx.msk $0xffff, v46  }
0x71: {  	v59 =	vor.u32 v18, v45;
	[tilespmem:v60+s16+$0x0] =	vst.idx.msk $0xffff, v50  }
0x72: {  	v60 =	vor.u32 v17, v44;
	[tilespmem:v41+s16+$0x0] =	vst.idx.msk $0xffff, v49  }
0x73: {  	v62 =	vor.u32 v19, v45;
	[tilespmem:v54+s16+$0x0] =	vst.idx.msk $0xffff, v52  }
0x74: {  	v46 =	vor.u32 v7, v45;
	[tilespmem:v57+s16+$0x0] =	vst.idx.msk $0xffff, v55  }
0x75: {  	v41 =	vor.u32 v6, v44;
	[tilespmem:v58+s16+$0x0] =	vst.idx.msk $0xffff, v53  }
0x76: {  	v49 =	vor.u32 v23, v44;
	v56 =	vld.idx.msk [tilespmem:v59+s13+$0x0], $0xffff  }
0x77: {  	v52 =	vor.u32 v9, v44;
	v55 =	vld.idx.msk [tilespmem:v60+s13+$0x0], $0xffff  }
0x78: {  	v60 =	vld.idx.msk [tilespmem:v62+s13+$0x0], $0xffff  }
0x79: {  	v54 =	vor.u32 v0, v45;
	v57 =	vld.idx.msk [tilespmem:v46+s13+$0x0], $0xffff  }
0x7a: {  	v22 =	vmov v0;
	v58 =	vld.idx.msk [tilespmem:v41+s13+$0x0], $0xffff;
	v41 =	vor.u32 v24, v13  }
0x7b: {  	v30 =	vmovc v29;
	v48 =	vld.idx.msk [tilespmem:v49+s13+$0x0], $0xffff;
	v13 =	vmov v21;
	v44 =	vor.u32 v61, v41;
	v50 =	vor.u32 v11, v41  }
0x7c: {  	v59 =	vld.idx.msk [tilespmem:v52+s13+$0x0], $0xffff;
	v47 =	vor.u32 v51, v41;
	v53 =	vor.u32 v14, v41;
	v46 =	vor.u32 v15, v41  }
0x7d: {  	v62 =	vor.u32 v16, v41;
	v61 =	vor.u32 v12, v41;
	v51 =	vor.u32 v63, v41;
	v11 =	vmovc v25  }
0x7e: {  	s28 =	simm.s32 $0x1;
	v49 =	vld.idx.msk [tilespmem:v54+s13+$0x0], $0xffff;
	v15 =	vmovc v26;
	v14 =	vmovc v27;
	v16 =	vmov v28;
	v41 =	vmov v20;
	v20 =	vmov v6  }
.LBB2_3:
0x7f: {  	v0 =	vld [tilespmem:$0x1FE00];
	_ =	sdelay $0x1  }
0x80: {  	s29 =	smov.u32 s28  }
0x81: {  	[tilespmem:v50+s16+$0x0] =	vst.idx.msk $0xffff, v60;
	v50 =	vadd.s32 s29, v4  }
0x82: {  	v45 =	vshll.u32 v50, $0x6  }
0x83: {  	[tilespmem:v53+s16+$0x0] =	vst.idx.msk $0xffff, v55;
	v53 =	vor.u32 v0, v45;
	v0 =	vld [tilespmem:$0x1FE20];
	_ =	sdelay $0x4  }
0x84: {  	v54 =	vor.u32 v0, v45;
	v0 =	vld [tilespmem:$0x1FE10];
	_ =	sdelay $0x3  }
0x85: {  	[tilespmem:v46+s16+$0x0] =	vst.idx.msk $0xffff, v56;
	v46 =	vand.u32 $0x3C0, v45  }
0x86: {  	[tilespmem:v62+s16+$0x0] =	vst.idx.msk $0xffff, v58;
	v58 =	vor.u32 v0, v46;
	v0 =	vld [tilespmem:$0x1FE40];
	_ =	sdelay $0x4  }
0x87: {  	[tilespmem:v61+s16+$0x0] =	vst.idx.msk $0xffff, v57;
	v57 =	vor.u32 v0, v45;
	v0 =	vld [tilespmem:$0x1FE50];
	_ =	sdelay $0x4  }
0x88: {  	v60 =	vor.u32 v0, v46;
	v0 =	vld [tilespmem:$0x1FE60];
	_ =	sdelay $0x4  }
0x89: {  	[tilespmem:v51+s16+$0x0] =	vst.idx.msk $0xffff, v59;
	v51 =	vor.u32 v0, v45;
	v0 =	vld [tilespmem:$0x1FE30];
	_ =	sdelay $0x2  }
0x8a: {  	v56 =	vor.u32 v4, v46  }
0x8b: {  	[tilespmem:v44+s16+$0x0] =	vst.idx.msk $0xffff, v49  }
0x8c: {  	v4 =	vld [tilespmem:$0x1FFC0];
	[tilespmem:v47+s16+$0x0] =	vst.idx.msk $0xffff, v48;
	v49 =	vor.u32 v0, v46  }
0x8d: {  	v63 =	vadd.s32 s29, v1;
	v52 =	vor.u32 v8, v50;
	v55 =	vand.u32 $0x7, v50;
	v47 =	vld.idx.msk [tilespmem:v53+s13+$0x0], $0xffff  }
0x8e: {  	v62 =	vand.u32 $0x388, v63;
	v63 =	vand.u32 $0x398, v52;
	v59 =	vor.u32 v2, v55;
	v53 =	vld.idx.msk [tilespmem:v54+s13+$0x0], $0xffff  }
0x8f: {  	v52 =	vadd.s32 s29, v3;
	v61 =	vor.u32 v41, v50;
	v54 =	vld.idx.msk [tilespmem:v56+s13+$0x0], $0xffff;
	v56 =	vor.u32 v62, v59  }
0x90: {  	v44 =	vor.u32 v5, v50;
	v48 =	vand.u32 $0x3A8, v52;
	v58 =	vld.idx.msk [tilespmem:v58+s13+$0x0], $0xffff;
	v0 =	vor.u32 v63, v59  }
0x91: {  	v27 =	vmovc v2;
	v28 =	vmovc v3;
	v3 =	vor.u32 v48, v59;
	v52 =	vadd.s32 s29, v4;
	v2 =	vld.idx.msk [tilespmem:v49+s13+$0x0], $0xffff;
	v49 =	vand.u32 $0x3B8, v44  }
0x92: {  	v25 =	vmovc v1;
	v50 =	vor.u32 v11, v50;
	v1 =	vld.idx.msk [tilespmem:v51+s13+$0x0], $0xffff;
	v51 =	vand.u32 $0x3C8, v52;
	v4 =	vor.u32 v49, v59  }
0x93: {  	v29 =	vmovc v5;
	v57 =	vld.idx.msk [tilespmem:v57+s13+$0x0], $0xffff;
	v52 =	vand.u32 $0x3D8, v61;
	v61 =	vadd.s32 s29, v13;
	v5 =	vor.u32 v51, v59  }
0x94: {  	v60 =	vld.idx.msk [tilespmem:v60+s13+$0x0], $0xffff;
	v61 =	vand.u32 $0x3E8, v61;
	[tilespmem:v56+s16+$0x0] =	vst.idx.msk $0xffff, v54;
	v56 =	vor.u32 v52, v59  }
0x95: {  	v6 =	vand.u32 $0x3F8, v50;
	[tilespmem:v0+s16+$0x0] =	vst.idx.msk $0xffff, v47;
	v0 =	vor.u32 v61, v59  }
0x96: {  	[tilespmem:v3+s16+$0x0] =	vst.idx.msk $0xffff, v58;
	v3 =	vor.u32 v6, v59  }
0x97: {  	[tilespmem:v4+s16+$0x0] =	vst.idx.msk $0xffff, v53  }
0x98: {  	[tilespmem:v5+s16+$0x0] =	vst.idx.msk $0xffff, v2  }
0x99: {  	[tilespmem:v56+s16+$0x0] =	vst.idx.msk $0xffff, v57  }
0x9a: {  	v4 =	vor.u32 v16, v46;
	[tilespmem:v0+s16+$0x0] =	vst.idx.msk $0xffff, v60  }
0x9b: {  	v2 =	vor.u32 v14, v45;
	[tilespmem:v3+s16+$0x0] =	vst.idx.msk $0xffff, v1;
	v1 =	vld [tilespmem:$0x1FFF0]  }
0x9c: {  	v5 =	vor.u32 v15, v46  }
0x9d: {  	v56 =	vor.u32 v32, v46  }
0x9e: {  	v57 =	vor.u32 v33, v45  }
0x9f: {  	v0 =	vor.u32 v30, v45;
	v3 =	vld.idx.msk [tilespmem:v4+s13+$0x0], $0xffff  }
0xa0: {  	v58 =	vor.u32 v34, v55;
	v2 =	vld.idx.msk [tilespmem:v2+s13+$0x0], $0xffff;
	v1 =	vor.u32 v1, v46  }
0xa1: {  	v59 =	vor.u32 v62, v58;
	v4 =	vor.u32 v31, v45;
	v5 =	vld.idx.msk [tilespmem:v5+s13+$0x0], $0xffff  }
0xa2: {  	v60 =	vor.u32 v63, v58;
	v56 =	vld.idx.msk [tilespmem:v56+s13+$0x0], $0xffff  }
0xa3: {  	v12 =	vmov v7;
	v7 =	vor.u32 v48, v58;
	v57 =	vld.idx.msk [tilespmem:v57+s13+$0x0], $0xffff  }
0xa4: {  	v26 =	vmov v8;
	v8 =	vor.u32 v49, v58;
	v0 =	vld.idx.msk [tilespmem:v0+s13+$0x0], $0xffff  }
0xa5: {  	v21 =	vmov v9;
	v9 =	vor.u32 v51, v58;
	v1 =	vld.idx.msk [tilespmem:v1+s13+$0x0], $0xffff  }
0xa6: {  	v4 =	vld.idx.msk [tilespmem:v4+s13+$0x0], $0xffff;
	[tilespmem:v59+s16+$0x0] =	vst.idx.msk $0xffff, v5;
	v5 =	vor.u32 v52, v58  }
0xa7: {  	[tilespmem:v60+s16+$0x0] =	vst.idx.msk $0xffff, v2;
	v2 =	vor.u32 v61, v58  }
0xa8: {  	[tilespmem:v7+s16+$0x0] =	vst.idx.msk $0xffff, v3;
	v3 =	vor.u32 v6, v58  }
0xa9: {  	[tilespmem:v8+s16+$0x0] =	vst.idx.msk $0xffff, v0;
	v0 =	vor.u32 v37, v46  }
0xaa: {  	v7 =	vor.u32 v42, v45;
	[tilespmem:v9+s16+$0x0] =	vst.idx.msk $0xffff, v1  }
0xab: {  	[tilespmem:v5+s16+$0x0] =	vst.idx.msk $0xffff, v4;
	v4 =	vor.u32 v35, v46  }
0xac: {  	v1 =	vor.u32 v36, v45;
	[tilespmem:v2+s16+$0x0] =	vst.idx.msk $0xffff, v56  }
0xad: {  	v8 =	vor.u32 v10, v46;
	[tilespmem:v3+s16+$0x0] =	vst.idx.msk $0xffff, v57  }
0xae: {  	v2 =	vor.u32 v38, v45;
	v0 =	vld.idx.msk [tilespmem:v0+s13+$0x0], $0xffff  }
0xaf: {  	v9 =	vor.u32 v43, v55;
	v3 =	vor.u32 v39, v46;
	v7 =	vld.idx.msk [tilespmem:v7+s13+$0x0], $0xffff  }
0xb0: {  	v54 =	vor.u32 v24, v55;
	v5 =	vor.u32 v40, v45;
	v55 =	vor.u32 v62, v9;
	v4 =	vld.idx.msk [tilespmem:v4+s13+$0x0], $0xffff  }
0xb1: {  	v56 =	vor.u32 v63, v9;
	v1 =	vld.idx.msk [tilespmem:v1+s13+$0x0], $0xffff  }
0xb2: {  	v60 =	vor.u32 v48, v9;
	v8 =	vld.idx.msk [tilespmem:v8+s13+$0x0], $0xffff  }
0xb3: {  	v50 =	vor.u32 v62, v54;
	v62 =	vor.u32 v49, v9;
	v2 =	vld.idx.msk [tilespmem:v2+s13+$0x0], $0xffff  }
0xb4: {  	v53 =	vor.u32 v63, v54;
	v63 =	vor.u32 v51, v9;
	v3 =	vld.idx.msk [tilespmem:v3+s13+$0x0], $0xffff  }
0xb5: {  	v5 =	vld.idx.msk [tilespmem:v5+s13+$0x0], $0xffff;
	[tilespmem:v55+s16+$0x0] =	vst.idx.msk $0xffff, v4;
	v4 =	vor.u32 v52, v9  }
0xb6: {  	[tilespmem:v56+s16+$0x0] =	vst.idx.msk $0xffff, v1;
	v1 =	vor.u32 v61, v9  }
0xb7: {  	[tilespmem:v60+s16+$0x0] =	vst.idx.msk $0xffff, v0;
	v0 =	vor.u32 v6, v9  }
0xb8: {  	[tilespmem:v62+s16+$0x0] =	vst.idx.msk $0xffff, v2;
	v2 =	vor.u32 v18, v46  }
0xb9: {  	v47 =	vor.u32 v6, v54;
	v6 =	vor.u32 v17, v45;
	[tilespmem:v63+s16+$0x0] =	vst.idx.msk $0xffff, v3  }
0xba: {  	v3 =	vor.u32 v19, v46;
	[tilespmem:v4+s16+$0x0] =	vst.idx.msk $0xffff, v5  }
0xbb: {  	v4 =	vor.u32 v23, v45;
	[tilespmem:v1+s16+$0x0] =	vst.idx.msk $0xffff, v8  }
0xbc: {  	v1 =	vor.u32 v20, v45;
	[tilespmem:v0+s16+$0x0] =	vst.idx.msk $0xffff, v7  }
0xbd: {  	v0 =	vor.u32 v12, v46;
	v56 =	vld.idx.msk [tilespmem:v2+s13+$0x0], $0xffff  }
0xbe: {  	v2 =	vor.u32 v21, v45;
	v55 =	vld.idx.msk [tilespmem:v6+s13+$0x0], $0xffff  }
0xbf: {  	p1 =	sne.s32 s28, $0xF;
	v60 =	vld.idx.msk [tilespmem:v3+s13+$0x0], $0xffff;
	v3 =	vor.u32 v22, v46  }
.Ltmp0:
0xc0: {  	v46 =	vor.u32 v48, v54;
	v48 =	vld.idx.msk [tilespmem:v4+s13+$0x0], $0xffff;
	(pc) =	sbr.rel @p1 .LBB2_3-.Ltmp0, $4  }
0xc1: {  	v58 =	vld.idx.msk [tilespmem:v1+s13+$0x0], $0xffff  }
0xc2: {  	v44 =	vor.u32 v61, v54;
	v61 =	vor.u32 v51, v54;
	v51 =	vor.u32 v52, v54;
	v57 =	vld.idx.msk [tilespmem:v0+s13+$0x0], $0xffff  }
0xc3: {  	v9 =	vmovc v21;
	v62 =	vor.u32 v49, v54;
	v5 =	vmov v29;
	v8 =	vmov v26;
	v59 =	vld.idx.msk [tilespmem:v2+s13+$0x0], $0xffff  }
0xc4: {  	s28 =	sadd.s32 $0x1, s28;
	v7 =	vmovc v12;
	v4 =	vlaneseq.u32;
	v1 =	vmovc v25;
	v2 =	vmov v27;
	v49 =	vld.idx.msk [tilespmem:v3+s13+$0x0], $0xffff;
	v3 =	vmov v28  }
0xc5: {  	_ =	sdelay $0x3  }
0xc6: {  	[tilespmem:v50+s16+$0x0] =	vst.idx.msk $0xffff, v60  }
0xc7: {  	[tilespmem:v53+s16+$0x0] =	vst.idx.msk $0xffff, v55  }
0xc8: {  	[tilespmem:v46+s16+$0x0] =	vst.idx.msk $0xffff, v56  }
0xc9: {  	[tilespmem:v62+s16+$0x0] =	vst.idx.msk $0xffff, v58  }
0xca: {  	[tilespmem:v61+s16+$0x0] =	vst.idx.msk $0xffff, v57  }
0xcb: {  	[tilespmem:v51+s16+$0x0] =	vst.idx.msk $0xffff, v59  }
0xcc: {  	s28 =	sshll.u32 s24, $0xA;
	[tilespmem:v44+s16+$0x0] =	vst.idx.msk $0xffff, v49  }
0xcd: {  	s28 =	sshrl.u32 s28, $0x2;
	[tilespmem:v47+s16+$0x0] =	vst.idx.msk $0xffff, v48  }
0xce: {  	v0 =	vld [tilespmem:s28+$0x6400];
	_ =	sdelay $0x4  }
0xcf: {  	[tilespmem:$0x12780] =	vst v0  }
0xd0: {  	v0 =	vld [tilespmem:s28+$0x6410];
	_ =	sdelay $0x4  }
0xd1: {  	[tilespmem:$0x12790] =	vst v0  }
0xd2: {  	v0 =	vld [tilespmem:s28+$0x6420];
	_ =	sdelay $0x4  }
0xd3: {  	[tilespmem:$0x127A0] =	vst v0  }
0xd4: {  	v0 =	vld [tilespmem:s28+$0x6430];
	_ =	sdelay $0x4  }
0xd5: {  	[tilespmem:$0x127B0] =	vst v0  }
0xd6: {  	v0 =	vld [tilespmem:s28+$0x6440];
	_ =	sdelay $0x4  }
0xd7: {  	[tilespmem:$0x127C0] =	vst v0  }
0xd8: {  	v0 =	vld [tilespmem:s28+$0x6450];
	_ =	sdelay $0x4  }
0xd9: {  	[tilespmem:$0x127D0] =	vst v0  }
0xda: {  	v0 =	vld [tilespmem:s28+$0x6460];
	_ =	sdelay $0x4  }
0xdb: {  	[tilespmem:$0x127E0] =	vst v0  }
0xdc: {  	v0 =	vld [tilespmem:s28+$0x6470];
	_ =	sdelay $0x1  }
0xdd: {  	s29 =	sshll.u32 s24, $0x13  }
0xde: {  	v9 =	vld [tilespmem:$0x1FE50];
	s29 =	sor.u32 s7, s29  }
0xdf: {  	v7 =	vld [tilespmem:$0x1FE20];
	s29 =	sshrl.u32 s29, $0x3  }
0xe0: {  	v1 =	vld [tilespmem:$0x1FE00];
	s29 =	sadd.s32 s2, s29;
	[tilespmem:$0x127F0] =	vst v0  }
0xe1: {  	v6 =	vld [tilespmem:$0x1FE60];
	[hbm4b:s29+s17] =	stream.strided.scatter [tilespmem:s16], [sflag:$0x3], $0x2000, s18, s17, $0x38  }
0xe2: {  	v42 =	vmov v31;
	v31 =	vld [tilespmem:$0x1FFF0];
	s29 =	simm.s32 @!p0 $0x4  }
0xe3: {  	v63 =	vld [tilespmem:$0x1FFC0];
	p1 =	seq.s32 @!p0 s24, $0x63;
	_ =	swait.ge @!p0 [sflag:s29], $0x2000  }
0xe4: {  	p1 =	por p0, !p1;
	[sflag:s29] =	ssyncset.done @!p0 $0x0  }
0xe5: {  	s28 =	sadd.s32 @p1 $0x100, s28;
	[sflag:s29] =	ssyncadd.s32 @!p0 $0xFFFFE000  }
0xe6: {  	[tilespmem:s13], [sflag:$0x1] =	stream.indirect.gather @p1 [hbm4b:s4+s9], $0x40, s28, s9, $0xb8;
	[tilespmem:$0x14800] =	vst v63  }
0xe7: {  	s28 =	simm.s32 $0x0  }
0xe8: {  	v0 =	vadd.s32 s28, v4;
	_ =	swait.ge [sflag:s19], $0x2000  }
0xe9: {  	v44 =	vshll.u32 v0, $0x6;
	v20 =	vld [tilespmem:$0x1FE10]  }
0xea: {  	v10 =	vmov v1;
	v1 =	vor.u32 v1, v44  }
0xeb: {  	v26 =	vmov v14;
	v14 =	vld [tilespmem:$0x1FE30];
	v35 =	vor.u32 v7, v44  }
0xec: {  	v23 =	vmov v15;
	v15 =	vld [tilespmem:$0x1FE40];
	v45 =	vand.u32 $0x3C0, v44;
	v38 =	vor.u32 v6, v44  }
0xed: {  	v28 =	vmov v16;
	v24 =	vmov v11;
	[sflag:s19] =	ssyncset.done $0x0;
	v36 =	vor.u32 v4, v45  }
0xee: {  	v52 =	vmovc v5;
	v18 =	vmovc v3;
	v40 =	vadd.s32 s28, v25;
	v8 =	vor.u32 v8, v0;
	[sflag:s19] =	ssyncadd.s32 $0xFFFFE000;
	v37 =	vor.u32 v20, v45  }
0xef: {  	v16 =	vmovc v6;
	v17 =	vmovc v9;
	v46 =	vand.u32 $0x388, v40;
	v6 =	vand.u32 $0x7, v0;
	v9 =	vor.u32 v9, v45;
	v1 =	vld.idx.msk [tilespmem:v1+s14+$0x0], $0xffff  }
0xf0: {  	v11 =	vmovc v2;
	v8 =	vand.u32 $0x398, v8;
	v57 =	vor.u32 v26, v44;
	v39 =	vor.u32 v14, v45;
	v2 =	vld.idx.msk [tilespmem:v35+s14+$0x0], $0xffff  }
0xf1: {  	v59 =	vor.u32 v30, v44;
	v48 =	vor.u32 v11, v6;
	v47 =	vor.u32 v15, v44;
	v5 =	vld.idx.msk [tilespmem:v38+s14+$0x0], $0xffff  }
0xf2: {  	v62 =	vor.u32 v42, v44;
	v43 =	vor.u32 v46, v48;
	v35 =	vadd.s32 s28, v18;
	v3 =	vld.idx.msk [tilespmem:v36+s14+$0x0], $0xffff  }
0xf3: {  	v36 =	vor.u32 v52, v0;
	v54 =	vand.u32 $0x3A8, v35;
	v4 =	vld.idx.msk [tilespmem:v37+s14+$0x0], $0xffff;
	v37 =	vor.u32 v8, v48  }
0xf4: {  	v22 =	vmovc v13;
	v38 =	vadd.s32 s28, v63;
	v9 =	vld.idx.msk [tilespmem:v9+s14+$0x0], $0xffff;
	v50 =	vor.u32 v54, v48;
	v51 =	vand.u32 $0x3B8, v36  }
0xf5: {  	v13 =	vmovc v7;
	v61 =	vand.u32 $0x3C8, v38;
	v40 =	vor.u32 v51, v48;
	v7 =	vld.idx.msk [tilespmem:v39+s14+$0x0], $0xffff;
	v39 =	vor.u32 v41, v0  }
0xf6: {  	v53 =	vor.u32 v61, v48;
	v47 =	vld.idx.msk [tilespmem:v47+s14+$0x0], $0xffff;
	v41 =	vadd.s32 s28, v22;
	v63 =	vand.u32 $0x3D8, v39  }
0xf7: {  	v0 =	vor.u32 v24, v0;
	v49 =	vand.u32 $0x3E8, v41;
	[tilespmem:v43+s20+$0x0] =	vst.idx.msk $0xffff, v3;
	v43 =	vor.u32 v63, v48  }
0xf8: {  	v56 =	vor.u32 v28, v45;
	v0 =	vand.u32 $0x3F8, v0;
	v52 =	vor.u32 v49, v48;
	[tilespmem:v37+s20+$0x0] =	vst.idx.msk $0xffff, v1  }
0xf9: {  	v58 =	vor.u32 v23, v45;
	v55 =	vor.u32 v0, v48;
	[tilespmem:v50+s20+$0x0] =	vst.idx.msk $0xffff, v4  }
0xfa: {  	v29 =	vmov v30;
	v60 =	vor.u32 v31, v45;
	v36 =	vor.u32 v34, v6;
	[tilespmem:v40+s20+$0x0] =	vst.idx.msk $0xffff, v2  }
0xfb: {  	v30 =	vmov v31;
	v38 =	vor.u32 v8, v36;
	v39 =	vor.u32 v54, v36;
	[tilespmem:v53+s20+$0x0] =	vst.idx.msk $0xffff, v7  }
0xfc: {  	v31 =	vmov v42;
	v41 =	vor.u32 v61, v36;
	v42 =	vor.u32 v63, v36;
	[tilespmem:v43+s20+$0x0] =	vst.idx.msk $0xffff, v47  }
0xfd: {  	v19 =	vld [tilespmem:$0x1FEA0];
	v37 =	vor.u32 v46, v36;
	v50 =	vor.u32 v0, v36;
	[tilespmem:v52+s20+$0x0] =	vst.idx.msk $0xffff, v9  }
0xfe: {  	v40 =	vor.u32 v51, v36;
	v43 =	vor.u32 v49, v36;
	v36 =	vld [tilespmem:$0x1FF50];
	[tilespmem:v55+s20+$0x0] =	vst.idx.msk $0xffff, v5  }
0xff: {  	v2 =	vld.idx.msk [tilespmem:v56+s14+$0x0], $0xffff  }
0x100: {  	v35 =	vor.u32 v33, v44;
	v7 =	vld.idx.msk [tilespmem:v57+s14+$0x0], $0xffff  }
0x101: {  	v3 =	vld.idx.msk [tilespmem:v58+s14+$0x0], $0xffff  }
0x102: {  	v9 =	vor.u32 v32, v45;
	v1 =	vld.idx.msk [tilespmem:v59+s14+$0x0], $0xffff  }
0x103: {  	v4 =	vld.idx.msk [tilespmem:v60+s14+$0x0], $0xffff  }
0x104: {  	v5 =	vld.idx.msk [tilespmem:v62+s14+$0x0], $0xffff  }
0x105: {  	v47 =	vld.idx.msk [tilespmem:v35+s14+$0x0], $0xffff  }
0x106: {  	v35 =	vld [tilespmem:$0x1FF40]  }
0x107: {  	v9 =	vld.idx.msk [tilespmem:v9+s14+$0x0], $0xffff;
	[tilespmem:v37+s20+$0x0] =	vst.idx.msk $0xffff, v3  }
0x108: {  	v37 =	vld [tilespmem:$0x1FF60];
	[tilespmem:v38+s20+$0x0] =	vst.idx.msk $0xffff, v7  }
0x109: {  	v38 =	vld [tilespmem:$0x1FF30];
	[tilespmem:v39+s20+$0x0] =	vst.idx.msk $0xffff, v2  }
0x10a: {  	v39 =	vld [tilespmem:$0x1FF20];
	[tilespmem:v40+s20+$0x0] =	vst.idx.msk $0xffff, v1  }
0x10b: {  	v40 =	vld [tilespmem:$0x1FF10];
	[tilespmem:v41+s20+$0x0] =	vst.idx.msk $0xffff, v4  }
0x10c: {  	v53 =	vor.u32 v36, v44;
	v41 =	vld [tilespmem:$0x1FEF0];
	[tilespmem:v42+s20+$0x0] =	vst.idx.msk $0xffff, v5  }
0x10d: {  	v55 =	vor.u32 v35, v45;
	[tilespmem:v43+s20+$0x0] =	vst.idx.msk $0xffff, v9;
	v43 =	vld [tilespmem:$0x1FEE0]  }
0x10e: {  	v52 =	vor.u32 v37, v45;
	v42 =	vld [tilespmem:$0x1FF00]  }
0x10f: {  	v11 =	vld [tilespmem:$0x1FE70];
	v56 =	vor.u32 v38, v44  }
0x110: {  	v18 =	vld [tilespmem:$0x1FE80];
	[tilespmem:v50+s20+$0x0] =	vst.idx.msk $0xffff, v47;
	v57 =	vor.u32 v39, v45  }
0x111: {  	v58 =	vor.u32 v40, v44;
	v4 =	vld.idx.msk [tilespmem:v53+s14+$0x0], $0xffff  }
0x112: {  	v3 =	vld.idx.msk [tilespmem:v55+s14+$0x0], $0xffff;
	v59 =	vor.u32 v41, v45;
	v48 =	vor.u32 v43, v6  }
0x113: {  	v1 =	vld.idx.msk [tilespmem:v52+s14+$0x0], $0xffff;
	v9 =	vor.u32 v42, v44;
	v50 =	vor.u32 v46, v48  }
0x114: {  	v5 =	vld.idx.msk [tilespmem:v56+s14+$0x0], $0xffff;
	v52 =	vor.u32 v8, v48  }
0x115: {  	v2 =	vld.idx.msk [tilespmem:v57+s14+$0x0], $0xffff;
	v53 =	vor.u32 v54, v48  }
0x116: {  	v60 =	vor.u32 v51, v48;
	v7 =	vld.idx.msk [tilespmem:v58+s14+$0x0], $0xffff  }
0x117: {  	v62 =	vor.u32 v61, v48;
	v47 =	vld.idx.msk [tilespmem:v59+s14+$0x0], $0xffff  }
0x118: {  	v9 =	vld.idx.msk [tilespmem:v9+s14+$0x0], $0xffff;
	[tilespmem:v50+s20+$0x0] =	vst.idx.msk $0xffff, v3;
	v50 =	vor.u32 v63, v48  }
0x119: {  	v57 =	vor.u32 v49, v48;
	v58 =	vor.u32 v0, v48;
	v48 =	vld [tilespmem:$0x1FE90];
	[tilespmem:v52+s20+$0x0] =	vst.idx.msk $0xffff, v4  }
0x11a: {  	[tilespmem:v53+s20+$0x0] =	vst.idx.msk $0xffff, v1  }
0x11b: {  	v59 =	vor.u32 v18, v45;
	[tilespmem:v60+s20+$0x0] =	vst.idx.msk $0xffff, v5  }
0x11c: {  	v22 =	vld [tilespmem:$0x1FED0];
	v60 =	vor.u32 v11, v44;
	[tilespmem:v62+s20+$0x0] =	vst.idx.msk $0xffff, v2  }
0x11d: {  	v27 =	vmov v26;
	v26 =	vmov v23;
	v23 =	vld [tilespmem:$0x1FEB0];
	v62 =	vor.u32 v19, v45;
	[tilespmem:v50+s20+$0x0] =	vst.idx.msk $0xffff, v7  }
0x11e: {  	v25 =	vmov v24;
	v24 =	vld [tilespmem:$0x1FEC0];
	v4 =	vor.u32 v48, v44;
	[tilespmem:v57+s20+$0x0] =	vst.idx.msk $0xffff, v47  }
0x11f: {  	v50 =	vor.u32 v12, v45;
	[tilespmem:v58+s20+$0x0] =	vst.idx.msk $0xffff, v9  }
0x120: {  	v5 =	vor.u32 v21, v44;
	v56 =	vld.idx.msk [tilespmem:v59+s14+$0x0], $0xffff  }
0x121: {  	v2 =	vor.u32 v22, v44;
	v55 =	vld.idx.msk [tilespmem:v60+s14+$0x0], $0xffff  }
0x122: {  	v3 =	vor.u32 v23, v45;
	v60 =	vld.idx.msk [tilespmem:v62+s14+$0x0], $0xffff  }
0x123: {  	v58 =	vld.idx.msk [tilespmem:v4+s14+$0x0], $0xffff;
	v4 =	vor.u32 v24, v6  }
0x124: {  	v57 =	vld.idx.msk [tilespmem:v50+s14+$0x0], $0xffff;
	v50 =	vor.u32 v46, v4  }
0x125: {  	v59 =	vld.idx.msk [tilespmem:v5+s14+$0x0], $0xffff;
	v53 =	vor.u32 v8, v4  }
0x126: {  	v48 =	vld.idx.msk [tilespmem:v2+s14+$0x0], $0xffff;
	v44 =	vor.u32 v49, v4;
	v47 =	vor.u32 v0, v4;
	v46 =	vor.u32 v54, v4  }
0x127: {  	s28 =	simm.s32 $0x1;
	v62 =	vor.u32 v51, v4;
	v61 =	vor.u32 v61, v4;
	v51 =	vor.u32 v63, v4;
	v49 =	vld.idx.msk [tilespmem:v3+s14+$0x0], $0xffff  }
.LBB2_5:
0x128: {  	_ = 	snop  }
0x129: {  	s29 =	smov.u32 s28;
	v4 =	vlaneseq.u32;
	v1 =	vld [tilespmem:$0x1FF70];
	[tilespmem:v50+s20+$0x0] =	vst.idx.msk $0xffff, v60  }
0x12a: {  	v9 =	vld [tilespmem:$0x1FF90];
	v0 =	vadd.s32 s29, v4;
	[tilespmem:v53+s20+$0x0] =	vst.idx.msk $0xffff, v55  }
0x12b: {  	v63 =	vld [tilespmem:$0x1FFA0];
	v45 =	vshll.u32 v0, $0x6;
	[tilespmem:v46+s20+$0x0] =	vst.idx.msk $0xffff, v56  }
0x12c: {  	v52 =	vld [tilespmem:$0x1FFC0];
	v2 =	vor.u32 v10, v45;
	[tilespmem:v62+s20+$0x0] =	vst.idx.msk $0xffff, v58  }
0x12d: {  	v3 =	vor.u32 v13, v45;
	v46 =	vand.u32 $0x3C0, v45;
	v62 =	vld [tilespmem:$0x1FF80];
	[tilespmem:v61+s20+$0x0] =	vst.idx.msk $0xffff, v57  }
0x12e: {  	v54 =	vld [tilespmem:$0x1FFE0];
	v4 =	vor.u32 v4, v46;
	[tilespmem:v51+s20+$0x0] =	vst.idx.msk $0xffff, v59  }
0x12f: {  	v60 =	vld [tilespmem:$0x1FFD0];
	v5 =	vor.u32 v20, v46;
	[tilespmem:v44+s20+$0x0] =	vst.idx.msk $0xffff, v49  }
0x130: {  	v8 =	vor.u32 v16, v45;
	v59 =	vld [tilespmem:$0x1FFB0];
	[tilespmem:v47+s20+$0x0] =	vst.idx.msk $0xffff, v48  }
0x131: {  	v6 =	vor.u32 v15, v45;
	v7 =	vor.u32 v17, v46;
	v2 =	vld.idx.msk [tilespmem:v2+s14+$0x0], $0xffff  }
0x132: {  	v55 =	vand.u32 $0x7, v0;
	v1 =	vor.u32 v1, v0;
	v48 =	vadd.s32 s29, v62;
	v3 =	vld.idx.msk [tilespmem:v3+s14+$0x0], $0xffff  }
0x133: {  	v9 =	vor.u32 v9, v55;
	v61 =	vor.u32 v14, v46;
	v4 =	vld.idx.msk [tilespmem:v4+s14+$0x0], $0xffff;
	v56 =	vand.u32 $0x388, v48  }
0x134: {  	v1 =	vand.u32 $0x398, v1;
	v5 =	vld.idx.msk [tilespmem:v5+s14+$0x0], $0xffff;
	v48 =	vadd.s32 s29, v63;
	v53 =	vor.u32 v56, v9  }
0x135: {  	v57 =	vor.u32 v1, v9;
	v8 =	vld.idx.msk [tilespmem:v8+s14+$0x0], $0xffff;
	v44 =	vor.u32 v59, v0;
	v48 =	vand.u32 $0x3A8, v48  }
0x136: {  	v7 =	vld.idx.msk [tilespmem:v7+s14+$0x0], $0xffff;
	v47 =	vor.u32 v48, v9;
	v49 =	vand.u32 $0x3B8, v44;
	v44 =	vadd.s32 s29, v52  }
0x137: {  	v50 =	vor.u32 v60, v0;
	v6 =	vld.idx.msk [tilespmem:v6+s14+$0x0], $0xffff;
	v59 =	vor.u32 v49, v9;
	v51 =	vand.u32 $0x3C8, v44  }
0x138: {  	v58 =	vld.idx.msk [tilespmem:v61+s14+$0x0], $0xffff;
	v52 =	vand.u32 $0x3D8, v50;
	v44 =	vadd.s32 s29, v54;
	v60 =	vor.u32 v51, v9  }
0x139: {  	v0 =	vor.u32 v25, v0;
	v61 =	vand.u32 $0x3E8, v44;
	[tilespmem:v53+s20+$0x0] =	vst.idx.msk $0xffff, v4;
	v4 =	vor.u32 v52, v9  }
0x13a: {  	v0 =	vand.u32 $0x3F8, v0;
	[tilespmem:v57+s20+$0x0] =	vst.idx.msk $0xffff, v2;
	v57 =	vor.u32 v61, v9  }
0x13b: {  	[tilespmem:v47+s20+$0x0] =	vst.idx.msk $0xffff, v5;
	v5 =	vor.u32 v0, v9  }
0x13c: {  	v62 =	vor.u32 v28, v46;
	[tilespmem:v59+s20+$0x0] =	vst.idx.msk $0xffff, v3  }
0x13d: {  	v9 =	vor.u32 v27, v45;
	[tilespmem:v60+s20+$0x0] =	vst.idx.msk $0xffff, v58  }
0x13e: {  	[tilespmem:v4+s20+$0x0] =	vst.idx.msk $0xffff, v6;
	v4 =	vor.u32 v26, v46  }
0x13f: {  	v63 =	vor.u32 v29, v45;
	[tilespmem:v57+s20+$0x0] =	vst.idx.msk $0xffff, v7  }
0x140: {  	v6 =	vor.u32 v31, v45;
	[tilespmem:v5+s20+$0x0] =	vst.idx.msk $0xffff, v8  }
0x141: {  	v5 =	vor.u32 v30, v46;
	v3 =	vld.idx.msk [tilespmem:v62+s14+$0x0], $0xffff  }
0x142: {  	v57 =	vor.u32 v34, v55;
	v8 =	vor.u32 v32, v46;
	v7 =	vld.idx.msk [tilespmem:v9+s14+$0x0], $0xffff  }
0x143: {  	v58 =	vor.u32 v56, v57;
	v9 =	vor.u32 v33, v45;
	v4 =	vld.idx.msk [tilespmem:v4+s14+$0x0], $0xffff  }
0x144: {  	v59 =	vor.u32 v1, v57;
	v2 =	vld.idx.msk [tilespmem:v63+s14+$0x0], $0xffff  }
0x145: {  	v60 =	vor.u32 v48, v57;
	v6 =	vld.idx.msk [tilespmem:v6+s14+$0x0], $0xffff  }
0x146: {  	v62 =	vor.u32 v49, v57;
	v5 =	vld.idx.msk [tilespmem:v5+s14+$0x0], $0xffff  }
0x147: {  	v63 =	vor.u32 v51, v57;
	v8 =	vld.idx.msk [tilespmem:v8+s14+$0x0], $0xffff  }
0x148: {  	v9 =	vld.idx.msk [tilespmem:v9+s14+$0x0], $0xffff;
	[tilespmem:v58+s20+$0x0] =	vst.idx.msk $0xffff, v4;
	v4 =	vor.u32 v52, v57  }
0x149: {  	[tilespmem:v59+s20+$0x0] =	vst.idx.msk $0xffff, v7;
	v7 =	vor.u32 v61, v57  }
0x14a: {  	v58 =	vor.u32 v0, v57;
	[tilespmem:v60+s20+$0x0] =	vst.idx.msk $0xffff, v3  }
0x14b: {  	v59 =	vor.u32 v37, v46;
	[tilespmem:v62+s20+$0x0] =	vst.idx.msk $0xffff, v2  }
0x14c: {  	v60 =	vor.u32 v39, v46;
	[tilespmem:v63+s20+$0x0] =	vst.idx.msk $0xffff, v5  }
0x14d: {  	[tilespmem:v4+s20+$0x0] =	vst.idx.msk $0xffff, v6;
	v4 =	vor.u32 v35, v46  }
0x14e: {  	v5 =	vor.u32 v36, v45;
	[tilespmem:v7+s20+$0x0] =	vst.idx.msk $0xffff, v8  }
0x14f: {  	v6 =	vor.u32 v38, v45;
	[tilespmem:v58+s20+$0x0] =	vst.idx.msk $0xffff, v9  }
0x150: {  	v7 =	vor.u32 v40, v45;
	v2 =	vld.idx.msk [tilespmem:v59+s14+$0x0], $0xffff  }
0x151: {  	v54 =	vor.u32 v24, v55;
	v55 =	vor.u32 v43, v55;
	v8 =	vor.u32 v42, v45;
	v3 =	vld.idx.msk [tilespmem:v60+s14+$0x0], $0xffff  }
0x152: {  	v50 =	vor.u32 v56, v54;
	v56 =	vor.u32 v56, v55;
	v9 =	vor.u32 v41, v46;
	v4 =	vld.idx.msk [tilespmem:v4+s14+$0x0], $0xffff  }
0x153: {  	v53 =	vor.u32 v1, v54;
	v1 =	vor.u32 v1, v55;
	v5 =	vld.idx.msk [tilespmem:v5+s14+$0x0], $0xffff  }
0x154: {  	v62 =	vor.u32 v48, v55;
	v6 =	vld.idx.msk [tilespmem:v6+s14+$0x0], $0xffff  }
0x155: {  	v63 =	vor.u32 v49, v55;
	v7 =	vld.idx.msk [tilespmem:v7+s14+$0x0], $0xffff  }
0x156: {  	v60 =	vor.u32 v51, v55;
	v8 =	vld.idx.msk [tilespmem:v8+s14+$0x0], $0xffff  }
0x157: {  	v9 =	vld.idx.msk [tilespmem:v9+s14+$0x0], $0xffff;
	[tilespmem:v56+s20+$0x0] =	vst.idx.msk $0xffff, v4;
	v4 =	vor.u32 v52, v55  }
0x158: {  	v44 =	vor.u32 v61, v54;
	v61 =	vor.u32 v61, v55;
	[tilespmem:v1+s20+$0x0] =	vst.idx.msk $0xffff, v5  }
0x159: {  	v47 =	vor.u32 v0, v54;
	v0 =	vor.u32 v0, v55;
	[tilespmem:v62+s20+$0x0] =	vst.idx.msk $0xffff, v2  }
0x15a: {  	v62 =	vor.u32 v18, v46;
	[tilespmem:v63+s20+$0x0] =	vst.idx.msk $0xffff, v6  }
0x15b: {  	v5 =	vor.u32 v11, v45;
	[tilespmem:v60+s20+$0x0] =	vst.idx.msk $0xffff, v3  }
0x15c: {  	v63 =	vor.u32 v19, v46;
	v6 =	vld [tilespmem:$0x1FE90];
	[tilespmem:v4+s20+$0x0] =	vst.idx.msk $0xffff, v7  }
0x15d: {  	v2 =	vor.u32 v21, v45;
	[tilespmem:v61+s20+$0x0] =	vst.idx.msk $0xffff, v9  }
0x15e: {  	v3 =	vor.u32 v23, v46;
	[tilespmem:v0+s20+$0x0] =	vst.idx.msk $0xffff, v8  }
0x15f: {  	v4 =	vor.u32 v22, v45;
	v56 =	vld.idx.msk [tilespmem:v62+s14+$0x0], $0xffff  }
0x160: {  	v0 =	vor.u32 v12, v46;
	v55 =	vld.idx.msk [tilespmem:v5+s14+$0x0], $0xffff  }
0x161: {  	p0 =	sne.s32 s28, $0xF;
	v1 =	vor.u32 v6, v45;
	v60 =	vld.idx.msk [tilespmem:v63+s14+$0x0], $0xffff  }
.Ltmp1:
0x162: {  	v59 =	vld.idx.msk [tilespmem:v2+s14+$0x0], $0xffff;
	(pc) =	sbr.rel @p0 .LBB2_5-.Ltmp1, $4  }
0x163: {  	v62 =	vor.u32 v49, v54;
	v49 =	vld.idx.msk [tilespmem:v3+s14+$0x0], $0xffff  }
0x164: {  	v46 =	vor.u32 v48, v54;
	v48 =	vld.idx.msk [tilespmem:v4+s14+$0x0], $0xffff  }
0x165: {  	v57 =	vld.idx.msk [tilespmem:v0+s14+$0x0], $0xffff  }
0x166: {  	s28 =	sadd.s32 $0x1, s28;
	v61 =	vor.u32 v51, v54;
	v51 =	vor.u32 v52, v54;
	v58 =	vld.idx.msk [tilespmem:v1+s14+$0x0], $0xffff  }
0x167: {  	_ =	sdelay $0x3  }
0x168: {  	[tilespmem:v50+s20+$0x0] =	vst.idx.msk $0xffff, v60  }
0x169: {  	[tilespmem:v53+s20+$0x0] =	vst.idx.msk $0xffff, v55  }
0x16a: {  	[tilespmem:v46+s20+$0x0] =	vst.idx.msk $0xffff, v56  }
0x16b: {  	[tilespmem:v62+s20+$0x0] =	vst.idx.msk $0xffff, v58  }
0x16c: {  	[tilespmem:v61+s20+$0x0] =	vst.idx.msk $0xffff, v57  }
0x16d: {  	[tilespmem:v51+s20+$0x0] =	vst.idx.msk $0xffff, v59  }
0x16e: {  	[tilespmem:v44+s20+$0x0] =	vst.idx.msk $0xffff, v49  }
0x16f: {  	[tilespmem:v47+s20+$0x0] =	vst.idx.msk $0xffff, v48  }
0x170: {  	v0 =	vld [tilespmem:s26+$0x6400];
	_ =	sdelay $0x4  }
0x171: {  	[tilespmem:$0x14780] =	vst v0  }
0x172: {  	v0 =	vld [tilespmem:s26+$0x6410];
	_ =	sdelay $0x4  }
0x173: {  	[tilespmem:$0x14790] =	vst v0  }
0x174: {  	v0 =	vld [tilespmem:s26+$0x6420];
	_ =	sdelay $0x4  }
0x175: {  	[tilespmem:$0x147A0] =	vst v0  }
0x176: {  	v0 =	vld [tilespmem:s26+$0x6430];
	_ =	sdelay $0x4  }
0x177: {  	[tilespmem:$0x147B0] =	vst v0  }
0x178: {  	v0 =	vld [tilespmem:s26+$0x6440];
	_ =	sdelay $0x4  }
0x179: {  	[tilespmem:$0x147C0] =	vst v0  }
0x17a: {  	v0 =	vld [tilespmem:s26+$0x6450];
	_ =	sdelay $0x4  }
0x17b: {  	[tilespmem:$0x147D0] =	vst v0  }
0x17c: {  	v0 =	vld [tilespmem:s26+$0x6460];
	_ =	sdelay $0x3  }
0x17d: {  	v1 =	vld [tilespmem:$0x1FF80]  }
0x17e: {  	v2 =	vld [tilespmem:$0x1FF90];
	[tilespmem:$0x147E0] =	vst v0  }
0x17f: {  	s24 =	sadd.s32 $0x1, s24;
	v0 =	vld [tilespmem:s26+$0x6470]  }
0x180: {  	v8 =	vld [tilespmem:$0x1FF70];
	p0 =	sne.s32 s24, $0x64  }
.Ltmp2:
0x181: {  	s25 =	sshll.u32 s25, $0x12;
	v3 =	vld [tilespmem:$0x1FFA0];
	(pc) =	sbr.rel @p0 .LBB2_2-.Ltmp2, $4  }
0x182: {  	v5 =	vld [tilespmem:$0x1FFB0];
	s25 =	sor.u32 s7, s25  }
0x183: {  	v7 =	vmov v12;
	v12 =	vld [tilespmem:$0x1FFC0];
	s25 =	sshrl.u32 s25, $0x3  }
0x184: {  	v9 =	vmov v21;
	v20 =	vld [tilespmem:$0x1FFD0];
	s25 =	sadd.s32 s2, s25;
	[tilespmem:$0x147F0] =	vst v0  }
0x185: {  	v4 =	vlaneseq.u32;
	v21 =	vld [tilespmem:$0x1FFE0];
	v10 =	vmovc v41;
	v17 =	vmovc v11;
	v0 =	vmov v23;
	v23 =	vmov v22;
	[hbm4b:s25+s17] =	stream.strided.scatter [tilespmem:s20], [sflag:$0x4], $0x2000, s18, s17, $0x38  }
0x186: {  	s23 =	sadd.s32 $0x1, s23  }
0x187: {  	_ =	swait.ge [sflag:s21], $0x2000;
	p0 =	sne.s32 s23, s8  }
.Ltmp3:
0x188: {  	[sflag:s21] =	ssyncset.done $0x0;
	(pc) =	sbr.rel @p0 .LBB2_1-.Ltmp3, $4  }
0x189: {  	[sflag:s21] =	ssyncadd.s32 $0xFFFFE000  }
0x18a: {  	_ =	swait.ge [sflag:s22], $0x2000  }
0x18b: {  	[sflag:s22] =	ssyncset.done $0x0  }
0x18c: {  	[sflag:s22] =	ssyncadd.s32 $0xFFFFE000  }
0x18d: {  	_ =	sfence.sel $0x180000  }
0x18e: {  	[bflag:$0x0] =	sbarrier.arrive $0xFFFF  }
0x18f: {  	p0 =	sne.s32 s0, $0x0;
	_ =	strace $0x90000047  }
0x190: {  	s0 =	sadd.s32 @!p0 $0x100000, s1;
	[bflag:$0x2] =	sbarrier.arrive $0xFFFF  }
0x191: {  	[sflag:s0] =	ssyncadd.tile.s32 @!p0 $0x1;
	_ =	shalt  }
.Lfunc_end2:
_tile_overlayer_lowered:
.L_overlay_start_2:
0x192: {  	(tag) =	ssettag $0x2  }
0x193: {  	s0 =	rddreg [dreg:$0x0];
	s2 =	stileid.u32  }
0x194: {  	s1 =	rddreg [dreg:$0x1];
	p0 =	sne.s32 s2, $0x0  }
0x195: {  	s3 =	rddreg [dreg:$0x2];
	[bflag:$0x3] =	sbarrier.arrive $0xFFFF;
	s2 =	simm.s32 @!p0 $0x1C05  }
0x196: {  	[timem:s3], [sflag:s2] =	dma.local @!p0 [hbm:s0], s1  }
0x197: {  	s0 =	simm.s32 @!p0 $0x5  }
0x198: {  	_ =	swait.ge @!p0 [sflag:s0], s1  }
0x199: {  	s1 =	ssub.s32 @!p0 $0x0, s1;
	[sflag:s0] =	ssyncset.done @!p0 $0x0  }
0x19a: {  	[sflag:s0] =	ssyncadd.s32 @!p0 s1  }
0x19b: {  	[bflag:$0x3] =	sbarrier.arrive $0xFFFF  }
0x19c: {  	_ =	shalt  }

</sc_bundles>
